<compile_context>
chip_gen: v7x
topology: tpu7x:2x2x1
jax: 0.10.2.dev20260603
libtpu: 0.0.44.dev20260713+nightly
codegen_flags: <defaults>
</compile_context>

<pallas_src>
import functools

import jax
import jax.numpy as jnp
from jax import lax
from jax.experimental import pallas as pl
from jax.experimental.pallas import tpu as pltpu
from jax.experimental.pallas import tpu_sc as plsc

NC, NS = 2, 16
NW = NC * NS
BW = 128
NSLOT = 10
AHEAD = 5
TC_BB = 128


@functools.partial(jax.jit, static_argnums=(4, 5, 6))
def _dual_gather(src_table, tgt_table, sidx_t, tidx_t, b, l, d):
    mesh = plsc.VectorSubcoreMesh(core_axis_name="c", subcore_axis_name="s")

    @functools.partial(
        pl.kernel,
        out_type=(
            jax.ShapeDtypeStruct((l, b, 128), jnp.float32),
            jax.ShapeDtypeStruct((l, b, 128), jnp.float32),
        ),
        mesh=mesh,
        scratch_types=(
            [pltpu.VMEM((l, BW), jnp.int32)] * 2
            + [pltpu.VMEM((BW, d), jnp.float32)] * NSLOT
            + [pltpu.SemaphoreType.DMA] * (2 * NSLOT)
        ),
        compiler_params=pltpu.CompilerParams(
            use_tc_tiling_on_sc=False, needs_layout_passes=False),
    )
    def k(src_tab, tgt_tab, sidx_hbm, tidx_hbm, src_out, tgt_out,
          sidx_v, tidx_v, *bufs_and_sems):
        gbufs = bufs_and_sems[:NSLOT]
        gsems = bufs_and_sems[NSLOT:2 * NSLOT]
        wsems = bufs_and_sems[2 * NSLOT:3 * NSLOT]
        wid = lax.axis_index("s") * NC + lax.axis_index("c")
        col0 = wid * BW
        pltpu.sync_copy(sidx_hbm.at[:, pl.ds(col0, BW)], sidx_v)
        pltpu.sync_copy(tidx_hbm.at[:, pl.ds(col0, BW)], tidx_v)

        def phase(tab, idx_v, out):
            def fire_gather(li, s):
                pltpu.async_copy(tab.at[idx_v.at[li]], gbufs[s], gsems[s])

            def wait_gather(li, s):
                pltpu.make_async_copy(
                    tab.at[idx_v.at[li]], gbufs[s], gsems[s]).wait()

            def fire_wb(li, s):
                pltpu.async_copy(
                    gbufs[s],
                    out.at[li, pl.ds(col0, BW), pl.ds(0, d)], wsems[s])

            def wait_wb(li, s):
                pltpu.make_async_copy(
                    gbufs[s],
                    out.at[li, pl.ds(col0, BW), pl.ds(0, d)], wsems[s]).wait()

            for s in range(AHEAD):
                fire_gather(s, s)

            def body(p, carry):
                for s in range(NSLOT):
                    li = NSLOT * p + s
                    s2 = (s + AHEAD) % NSLOT

                    wait_gather(li, s)
                    fire_wb(li, s)

                    @pl.when(li >= AHEAD)
                    def _():
                        wait_wb(li - AHEAD, s2)

                    @pl.when(li + AHEAD < l)
                    def _():
                        fire_gather(li + AHEAD, s2)
                return carry

            lax.fori_loop(0, l // NSLOT, body, 0)
            for s in range(AHEAD):
                wait_wb(l - AHEAD + s, (l - AHEAD + s) % NSLOT)

        phase(src_tab, sidx_v, src_out)
        phase(tgt_tab, tidx_v, tgt_out)

    return k(src_table, tgt_table, sidx_t, tidx_t)


def _tc_transpose(x_a, x_b, b, l, d):
    def body(xa_ref, xb_ref, oa_ref, ob_ref):
        oa_ref[0] = jnp.transpose(xa_ref[0][:, :d])
        ob_ref[0] = jnp.transpose(xb_ref[0][:, :d])

    out = jax.ShapeDtypeStruct((l, d, b), jnp.float32)
    in_spec = pl.BlockSpec((1, b, 128), lambda i: (i, 0, 0))
    out_spec = pl.BlockSpec((1, d, b), lambda i: (i, 0, 0))
    return pl.pallas_call(
        body,
        grid=(l,),
        in_specs=[in_spec, in_spec],
        out_specs=[out_spec, out_spec],
        out_shape=[out, out],
    )(x_a, x_b)


def kernel(src_table, tgt_table, src_indices, tgt_indices):
    b, l = src_indices.shape
    d = src_table.shape[1]
    sidx_t = jnp.transpose(src_indices.astype(jnp.int32))
    tidx_t = jnp.transpose(tgt_indices.astype(jnp.int32))
    src_f, tgt_f = _dual_gather(src_table, tgt_table, sidx_t, tidx_t, b, l, d)
    src_p, tgt_p = _tc_transpose(src_f, tgt_f, b, l, d)
    return (jnp.transpose(src_p, (2, 0, 1)), jnp.transpose(tgt_p, (2, 0, 1)))

# --- scband reference (transcript-rebuilt; emitter-appended) ---
"""Pipeline reference for scband-model-embeddings-81544249082576 (READ-ONLY COPY).

The authoritative reference and input builder live on the scoring server;
editing this copy changes nothing except your own understanding.
"""

import jax, jax.numpy as jnp
import numpy as np

VOCAB_SRC = 100000
VOCAB_TGT = 100000
EMBED = 64
B, L = 4096, 50
SRC_PAD = 0
TGT_PAD = 0

def setup_inputs(seed: int = 0) -> dict:
    key = jax.random.key(seed)
    k1, k2, k3, k4 = jax.random.split(key, 4)
    # nn.Embedding weights; padding_idx row is zero-initialized in torch
    src_table = jax.random.normal(k1, (VOCAB_SRC, EMBED), dtype=jnp.float32)
    src_table = src_table.at[SRC_PAD].set(0.0)
    tgt_table = jax.random.normal(k2, (VOCAB_TGT, EMBED), dtype=jnp.float32)
    tgt_table = tgt_table.at[TGT_PAD].set(0.0)
    src_indices = jax.random.randint(k3, (B, L), 0, VOCAB_SRC, dtype=jnp.int64 if jax.config.read('jax_enable_x64') else jnp.int32)
    tgt_indices = jax.random.randint(k4, (B, L), 0, VOCAB_TGT, dtype=jnp.int64 if jax.config.read('jax_enable_x64') else jnp.int32)
    return {
        'src_table': src_table,
        'tgt_table': tgt_table,
        'src_indices': src_indices,
        'tgt_indices': tgt_indices,
    }

def reference(src_table, tgt_table, src_indices, tgt_indices):
    # ModelEmbeddings.source(src_indices), ModelEmbeddings.target(tgt_indices)
    src_emb = jnp.take(src_table, src_indices, axis=0)
    tgt_emb = jnp.take(tgt_table, tgt_indices, axis=0)
    return (src_emb, tgt_emb)

if __name__ == "__main__":
    import jax
    _d = setup_inputs()
    print(jax.jit(kernel)(*tuple(_d.values())))

</pallas_src>

<mosaic_0001>
#map = affine_map<(d0, d1) -> (0, 0)>
#map1 = affine_map<(d0, d1) -> (0, 0, 0)>
module attributes {stable_mosaic.version = 14 : i64} {
  func.func @k(%arg0: i32, %arg1: i32, %arg2: memref<100000x64xf32, #tpu.memory_space<hbm>>, %arg3: memref<100000x64xf32, #tpu.memory_space<hbm>>, %arg4: memref<50x4096xi32, #tpu.memory_space<hbm>>, %arg5: memref<50x4096xi32, #tpu.memory_space<hbm>>, %arg6: memref<50x4096x128xf32, #tpu.memory_space<hbm>>, %arg7: memref<50x4096x128xf32, #tpu.memory_space<hbm>>, %arg8: memref<50x128xi32, #tpu.memory_space<vmem>>, %arg9: memref<50x128xi32, #tpu.memory_space<vmem>>, %arg10: memref<128x64xf32, #tpu.memory_space<vmem>>, %arg11: memref<128x64xf32, #tpu.memory_space<vmem>>, %arg12: memref<128x64xf32, #tpu.memory_space<vmem>>, %arg13: memref<128x64xf32, #tpu.memory_space<vmem>>, %arg14: memref<128x64xf32, #tpu.memory_space<vmem>>, %arg15: memref<128x64xf32, #tpu.memory_space<vmem>>, %arg16: memref<128x64xf32, #tpu.memory_space<vmem>>, %arg17: memref<128x64xf32, #tpu.memory_space<vmem>>, %arg18: memref<128x64xf32, #tpu.memory_space<vmem>>, %arg19: memref<128x64xf32, #tpu.memory_space<vmem>>, %arg20: memref<!tpu.dma_semaphore, #tpu.memory_space<semaphore_mem>>, %arg21: memref<!tpu.dma_semaphore, #tpu.memory_space<semaphore_mem>>, %arg22: memref<!tpu.dma_semaphore, #tpu.memory_space<semaphore_mem>>, %arg23: memref<!tpu.dma_semaphore, #tpu.memory_space<semaphore_mem>>, %arg24: memref<!tpu.dma_semaphore, #tpu.memory_space<semaphore_mem>>, %arg25: memref<!tpu.dma_semaphore, #tpu.memory_space<semaphore_mem>>, %arg26: memref<!tpu.dma_semaphore, #tpu.memory_space<semaphore_mem>>, %arg27: memref<!tpu.dma_semaphore, #tpu.memory_space<semaphore_mem>>, %arg28: memref<!tpu.dma_semaphore, #tpu.memory_space<semaphore_mem>>, %arg29: memref<!tpu.dma_semaphore, #tpu.memory_space<semaphore_mem>>, %arg30: memref<!tpu.dma_semaphore, #tpu.memory_space<semaphore_mem>>, %arg31: memref<!tpu.dma_semaphore, #tpu.memory_space<semaphore_mem>>, %arg32: memref<!tpu.dma_semaphore, #tpu.memory_space<semaphore_mem>>, %arg33: memref<!tpu.dma_semaphore, #tpu.memory_space<semaphore_mem>>, %arg34: memref<!tpu.dma_semaphore, #tpu.memory_space<semaphore_mem>>, %arg35: memref<!tpu.dma_semaphore, #tpu.memory_space<semaphore_mem>>, %arg36: memref<!tpu.dma_semaphore, #tpu.memory_space<semaphore_mem>>, %arg37: memref<!tpu.dma_semaphore, #tpu.memory_space<semaphore_mem>>, %arg38: memref<!tpu.dma_semaphore, #tpu.memory_space<semaphore_mem>>, %arg39: memref<!tpu.dma_semaphore, #tpu.memory_space<semaphore_mem>>) attributes {dimension_semantics = [#tpu.dimension_semantics<core_parallel>, #tpu.dimension_semantics<subcore_parallel>], iteration_bounds = array<i64: 2, 16>, scalar_prefetch = 0 : i64, scratch_operands = 32 : i64, tpu.core_type = #tpu.core_type<sc_vector_subcore>, window_params = [{transform_indices = #map}, {transform_indices = #map}, {transform_indices = #map}, {transform_indices = #map}, {transform_indices = #map1}, {transform_indices = #map1}]} {
    %mul3A = arith.constant 2 : i32
    %mul3A_0 = arith.muli %arg1, %mul3A : i32
    %add3A = arith.addi %mul3A_0, %arg0 : i32
    %mul3A_1 = arith.constant 128 : i32
    %mul3A_2 = arith.muli %add3A, %mul3A_1 : i32
    "tpu.region"() ({
      %run_scoped3A = tpu.sem_alloc : memref<!tpu.dma_semaphore, #tpu.memory_space<semaphore_mem>>
      %dma_start3A_152 = arith.constant 0 : i32
      %dma_start3A_153 = tpu.memref_slice %arg4[%dma_start3A_152, %mul3A_2] : memref<50x4096xi32, #tpu.memory_space<hbm>> -> memref<50x128xi32, #tpu.memory_space<hbm>>
      %dma_start3A_154 = arith.constant 0 : i32
      %dma_start3A_155 = tpu.memref_slice %arg4[%dma_start3A_154, %mul3A_2] : memref<50x4096xi32, #tpu.memory_space<hbm>> -> memref<50x128xi32, #tpu.memory_space<hbm>>
      tpu.enqueue_dma source(%dma_start3A_155 : memref<50x128xi32, #tpu.memory_space<hbm>>) target(%arg8 : memref<50x128xi32, #tpu.memory_space<vmem>>) target_semaphore(%run_scoped3A : memref<!tpu.dma_semaphore, #tpu.memory_space<semaphore_mem>>)
      %dma_wait3A_156 = arith.constant 0 : i32
      %dma_wait3A_157 = tpu.memref_slice %arg4[%dma_wait3A_156, %mul3A_2] : memref<50x4096xi32, #tpu.memory_space<hbm>> -> memref<50x128xi32, #tpu.memory_space<hbm>>
      %dma_wait3A_158 = arith.constant 0 : i32
      %dma_wait3A_159 = tpu.memref_slice %arg4[%dma_wait3A_158, %mul3A_2] : memref<50x4096xi32, #tpu.memory_space<hbm>> -> memref<50x128xi32, #tpu.memory_space<hbm>>
      tpu.wait_dma2 semaphore(%run_scoped3A : memref<!tpu.dma_semaphore, #tpu.memory_space<semaphore_mem>>) src(%dma_wait3A_159 : memref<50x128xi32, #tpu.memory_space<hbm>>) dst(%arg8 : memref<50x128xi32, #tpu.memory_space<vmem>>)
      tpu.yield
    }) : () -> ()
    "tpu.region"() ({
      %run_scoped3A = tpu.sem_alloc : memref<!tpu.dma_semaphore, #tpu.memory_space<semaphore_mem>>
      %dma_start3A_152 = arith.constant 0 : i32
      %dma_start3A_153 = tpu.memref_slice %arg5[%dma_start3A_152, %mul3A_2] : memref<50x4096xi32, #tpu.memory_space<hbm>> -> memref<50x128xi32, #tpu.memory_space<hbm>>
      %dma_start3A_154 = arith.constant 0 : i32
      %dma_start3A_155 = tpu.memref_slice %arg5[%dma_start3A_154, %mul3A_2] : memref<50x4096xi32, #tpu.memory_space<hbm>> -> memref<50x128xi32, #tpu.memory_space<hbm>>
      tpu.enqueue_dma source(%dma_start3A_155 : memref<50x128xi32, #tpu.memory_space<hbm>>) target(%arg9 : memref<50x128xi32, #tpu.memory_space<vmem>>) target_semaphore(%run_scoped3A : memref<!tpu.dma_semaphore, #tpu.memory_space<semaphore_mem>>)
      %dma_wait3A_156 = arith.constant 0 : i32
      %dma_wait3A_157 = tpu.memref_slice %arg5[%dma_wait3A_156, %mul3A_2] : memref<50x4096xi32, #tpu.memory_space<hbm>> -> memref<50x128xi32, #tpu.memory_space<hbm>>
      %dma_wait3A_158 = arith.constant 0 : i32
      %dma_wait3A_159 = tpu.memref_slice %arg5[%dma_wait3A_158, %mul3A_2] : memref<50x4096xi32, #tpu.memory_space<hbm>> -> memref<50x128xi32, #tpu.memory_space<hbm>>
      tpu.wait_dma2 semaphore(%run_scoped3A : memref<!tpu.dma_semaphore, #tpu.memory_space<semaphore_mem>>) src(%dma_wait3A_159 : memref<50x128xi32, #tpu.memory_space<hbm>>) dst(%arg9 : memref<50x128xi32, #tpu.memory_space<vmem>>)
      tpu.yield
    }) : () -> ()
    %dma_start3A = arith.constant 0 : i32
    %dma_start3A_3 = arith.constant 0 : i32
    %dma_start3A_4 = tpu.memref_slice %arg8[%dma_start3A, %dma_start3A_3] : memref<50x128xi32, #tpu.memory_space<vmem>> -> memref<1x128xi32, #tpu.memory_space<vmem>>
    %dma_start3A_5 = tpu.memref_squeeze %dma_start3A_4 : memref<1x128xi32, #tpu.memory_space<vmem>> -> memref<128xi32, #tpu.memory_space<vmem>>
    %dma_start3A_6 = arith.constant 0 : i32
    %dma_start3A_7 = arith.constant 0 : i32
    %dma_start3A_8 = tpu.memref_slice %arg2[%dma_start3A_6, %dma_start3A_7] : memref<100000x64xf32, #tpu.memory_space<hbm>> -> memref<100000x64xf32, #tpu.memory_space<hbm>>
    tpu.enqueue_indirect_dma source(%dma_start3A_8 : memref<100000x64xf32, #tpu.memory_space<hbm>>) target(%arg10 : memref<128x64xf32, #tpu.memory_space<vmem>>) offsets(%dma_start3A_5 : memref<128xi32, #tpu.memory_space<vmem>>) semaphore(%arg20 : memref<!tpu.dma_semaphore, #tpu.memory_space<semaphore_mem>>)
    %dma_start3A_9 = arith.constant 1 : i32
    %dma_start3A_10 = arith.constant 0 : i32
    %dma_start3A_11 = tpu.memref_slice %arg8[%dma_start3A_9, %dma_start3A_10] : memref<50x128xi32, #tpu.memory_space<vmem>> -> memref<1x128xi32, #tpu.memory_space<vmem>>
    %dma_start3A_12 = tpu.memref_squeeze %dma_start3A_11 : memref<1x128xi32, #tpu.memory_space<vmem>> -> memref<128xi32, #tpu.memory_space<vmem>>
    %dma_start3A_13 = arith.constant 0 : i32
    %dma_start3A_14 = arith.constant 0 : i32
    %dma_start3A_15 = tpu.memref_slice %arg2[%dma_start3A_13, %dma_start3A_14] : memref<100000x64xf32, #tpu.memory_space<hbm>> -> memref<100000x64xf32, #tpu.memory_space<hbm>>
    tpu.enqueue_indirect_dma source(%dma_start3A_15 : memref<100000x64xf32, #tpu.memory_space<hbm>>) target(%arg11 : memref<128x64xf32, #tpu.memory_space<vmem>>) offsets(%dma_start3A_12 : memref<128xi32, #tpu.memory_space<vmem>>) semaphore(%arg21 : memref<!tpu.dma_semaphore, #tpu.memory_space<semaphore_mem>>)
    %dma_start3A_16 = arith.constant 2 : i32
    %dma_start3A_17 = arith.constant 0 : i32
    %dma_start3A_18 = tpu.memref_slice %arg8[%dma_start3A_16, %dma_start3A_17] : memref<50x128xi32, #tpu.memory_space<vmem>> -> memref<1x128xi32, #tpu.memory_space<vmem>>
    %dma_start3A_19 = tpu.memref_squeeze %dma_start3A_18 : memref<1x128xi32, #tpu.memory_space<vmem>> -> memref<128xi32, #tpu.memory_space<vmem>>
    %dma_start3A_20 = arith.constant 0 : i32
    %dma_start3A_21 = arith.constant 0 : i32
    %dma_start3A_22 = tpu.memref_slice %arg2[%dma_start3A_20, %dma_start3A_21] : memref<100000x64xf32, #tpu.memory_space<hbm>> -> memref<100000x64xf32, #tpu.memory_space<hbm>>
    tpu.enqueue_indirect_dma source(%dma_start3A_22 : memref<100000x64xf32, #tpu.memory_space<hbm>>) target(%arg12 : memref<128x64xf32, #tpu.memory_space<vmem>>) offsets(%dma_start3A_19 : memref<128xi32, #tpu.memory_space<vmem>>) semaphore(%arg22 : memref<!tpu.dma_semaphore, #tpu.memory_space<semaphore_mem>>)
    %dma_start3A_23 = arith.constant 3 : i32
    %dma_start3A_24 = arith.constant 0 : i32
    %dma_start3A_25 = tpu.memref_slice %arg8[%dma_start3A_23, %dma_start3A_24] : memref<50x128xi32, #tpu.memory_space<vmem>> -> memref<1x128xi32, #tpu.memory_space<vmem>>
    %dma_start3A_26 = tpu.memref_squeeze %dma_start3A_25 : memref<1x128xi32, #tpu.memory_space<vmem>> -> memref<128xi32, #tpu.memory_space<vmem>>
    %dma_start3A_27 = arith.constant 0 : i32
    %dma_start3A_28 = arith.constant 0 : i32
    %dma_start3A_29 = tpu.memref_slice %arg2[%dma_start3A_27, %dma_start3A_28] : memref<100000x64xf32, #tpu.memory_space<hbm>> -> memref<100000x64xf32, #tpu.memory_space<hbm>>
    tpu.enqueue_indirect_dma source(%dma_start3A_29 : memref<100000x64xf32, #tpu.memory_space<hbm>>) target(%arg13 : memref<128x64xf32, #tpu.memory_space<vmem>>) offsets(%dma_start3A_26 : memref<128xi32, #tpu.memory_space<vmem>>) semaphore(%arg23 : memref<!tpu.dma_semaphore, #tpu.memory_space<semaphore_mem>>)
    %dma_start3A_30 = arith.constant 4 : i32
    %dma_start3A_31 = arith.constant 0 : i32
    %dma_start3A_32 = tpu.memref_slice %arg8[%dma_start3A_30, %dma_start3A_31] : memref<50x128xi32, #tpu.memory_space<vmem>> -> memref<1x128xi32, #tpu.memory_space<vmem>>
    %dma_start3A_33 = tpu.memref_squeeze %dma_start3A_32 : memref<1x128xi32, #tpu.memory_space<vmem>> -> memref<128xi32, #tpu.memory_space<vmem>>
    %dma_start3A_34 = arith.constant 0 : i32
    %dma_start3A_35 = arith.constant 0 : i32
    %dma_start3A_36 = tpu.memref_slice %arg2[%dma_start3A_34, %dma_start3A_35] : memref<100000x64xf32, #tpu.memory_space<hbm>> -> memref<100000x64xf32, #tpu.memory_space<hbm>>
    tpu.enqueue_indirect_dma source(%dma_start3A_36 : memref<100000x64xf32, #tpu.memory_space<hbm>>) target(%arg14 : memref<128x64xf32, #tpu.memory_space<vmem>>) offsets(%dma_start3A_33 : memref<128xi32, #tpu.memory_space<vmem>>) semaphore(%arg24 : memref<!tpu.dma_semaphore, #tpu.memory_space<semaphore_mem>>)
    %scan3A = arith.constant 0 : i32
    %scan3A_37 = arith.constant 0 : i32
    %scan3A_38 = arith.constant 5 : i32
    %scan3A_39 = arith.addi %scan3A_37, %scan3A_38 : i32
    %scan3A_40 = arith.constant 1 : i32
    scf.for %scan3A_152 = %scan3A_37 to %scan3A_39 step %scan3A_40  : i32 {
      %mul3A_153 = arith.constant 10 : i32
      %mul3A_154 = arith.muli %mul3A_153, %scan3A_152 : i32
      %add3A_155 = arith.constant 0 : i32
      %add3A_156 = arith.addi %mul3A_154, %add3A_155 : i32
      %dma_wait3A_157 = arith.constant 0 : i32
      %dma_wait3A_158 = tpu.memref_slice %arg8[%add3A_156, %dma_wait3A_157] : memref<50x128xi32, #tpu.memory_space<vmem>> -> memref<1x128xi32, #tpu.memory_space<vmem>>
      %dma_wait3A_159 = tpu.memref_squeeze %dma_wait3A_158 : memref<1x128xi32, #tpu.memory_space<vmem>> -> memref<128xi32, #tpu.memory_space<vmem>>
      %dma_wait3A_160 = arith.constant 0 : i32
      %dma_wait3A_161 = arith.constant 0 : i32
      %dma_wait3A_162 = tpu.memref_slice %arg2[%dma_wait3A_160, %dma_wait3A_161] : memref<100000x64xf32, #tpu.memory_space<hbm>> -> memref<100000x64xf32, #tpu.memory_space<hbm>>
      tpu.wait_indirect_dma semaphore(%arg20 : memref<!tpu.dma_semaphore, #tpu.memory_space<semaphore_mem>>) src(%dma_wait3A_162 : memref<100000x64xf32, #tpu.memory_space<hbm>>) dst(%arg10 : memref<128x64xf32, #tpu.memory_space<vmem>>)
      %dma_start3A_163 = arith.constant 0 : i32
      %dma_start3A_164 = tpu.memref_slice %arg6[%add3A_156, %mul3A_2, %dma_start3A_163] : memref<50x4096x128xf32, #tpu.memory_space<hbm>> -> memref<1x128x64xf32, #tpu.memory_space<hbm>>
      %dma_start3A_165 = tpu.memref_squeeze %dma_start3A_164 : memref<1x128x64xf32, #tpu.memory_space<hbm>> -> memref<128x64xf32, #tpu.memory_space<hbm>>
      %dma_start3A_166 = arith.constant 0 : i32
      %dma_start3A_167 = tpu.memref_slice %arg6[%add3A_156, %mul3A_2, %dma_start3A_166] : memref<50x4096x128xf32, #tpu.memory_space<hbm>> -> memref<1x128x64xf32, #tpu.memory_space<hbm>>
      %dma_start3A_168 = tpu.memref_squeeze %dma_start3A_167 : memref<1x128x64xf32, #tpu.memory_space<hbm>> -> memref<128x64xf32, #tpu.memory_space<hbm>>
      tpu.enqueue_dma source(%arg10 : memref<128x64xf32, #tpu.memory_space<vmem>>) target(%dma_start3A_168 : memref<128x64xf32, #tpu.memory_space<hbm>>) target_semaphore(%arg30 : memref<!tpu.dma_semaphore, #tpu.memory_space<semaphore_mem>>)
      %ge3A = arith.constant 5 : i32
      %ge3A_169 = arith.cmpi sge, %add3A_156, %ge3A : i32
      %convert_element_type3A = arith.extui %ge3A_169 : i1 to i32
      %cond3A = arith.constant 0 : i32
      %cond3A_170 = arith.cmpi ne, %convert_element_type3A, %cond3A : i32
      scf.if %cond3A_170 {
        %sub3A = arith.constant 5 : i32
        %sub3A_429 = arith.subi %add3A_156, %sub3A : i32
        %dma_wait3A_430 = arith.constant 0 : i32
        %dma_wait3A_431 = tpu.memref_slice %arg6[%sub3A_429, %mul3A_2, %dma_wait3A_430] : memref<50x4096x128xf32, #tpu.memory_space<hbm>> -> memref<1x128x64xf32, #tpu.memory_space<hbm>>
        %dma_wait3A_432 = tpu.memref_squeeze %dma_wait3A_431 : memref<1x128x64xf32, #tpu.memory_space<hbm>> -> memref<128x64xf32, #tpu.memory_space<hbm>>
        %dma_wait3A_433 = arith.constant 0 : i32
        %dma_wait3A_434 = tpu.memref_slice %arg6[%sub3A_429, %mul3A_2, %dma_wait3A_433] : memref<50x4096x128xf32, #tpu.memory_space<hbm>> -> memref<1x128x64xf32, #tpu.memory_space<hbm>>
        %dma_wait3A_435 = tpu.memref_squeeze %dma_wait3A_434 : memref<1x128x64xf32, #tpu.memory_space<hbm>> -> memref<128x64xf32, #tpu.memory_space<hbm>>
        tpu.wait_dma2 semaphore(%arg35 : memref<!tpu.dma_semaphore, #tpu.memory_space<semaphore_mem>>) src(%arg15 : memref<128x64xf32, #tpu.memory_space<vmem>>) dst(%dma_wait3A_435 : memref<128x64xf32, #tpu.memory_space<hbm>>)
      } else {
      }
      %add3A_171 = arith.constant 5 : i32
      %add3A_172 = arith.addi %add3A_156, %add3A_171 : i32
      %lt3A = arith.constant 50 : i32
      %lt3A_173 = arith.cmpi slt, %add3A_172, %lt3A : i32
      %convert_element_type3A_174 = arith.extui %lt3A_173 : i1 to i32
      %cond3A_175 = arith.constant 0 : i32
      %cond3A_176 = arith.cmpi ne, %convert_element_type3A_174, %cond3A_175 : i32
      scf.if %cond3A_176 {
        %add3A_429 = arith.constant 5 : i32
        %add3A_430 = arith.addi %add3A_156, %add3A_429 : i32
        %dma_start3A_431 = arith.constant 0 : i32
        %dma_start3A_432 = tpu.memref_slice %arg8[%add3A_430, %dma_start3A_431] : memref<50x128xi32, #tpu.memory_space<vmem>> -> memref<1x128xi32, #tpu.memory_space<vmem>>
        %dma_start3A_433 = tpu.memref_squeeze %dma_start3A_432 : memref<1x128xi32, #tpu.memory_space<vmem>> -> memref<128xi32, #tpu.memory_space<vmem>>
        %dma_start3A_434 = arith.constant 0 : i32
        %dma_start3A_435 = arith.constant 0 : i32
        %dma_start3A_436 = tpu.memref_slice %arg2[%dma_start3A_434, %dma_start3A_435] : memref<100000x64xf32, #tpu.memory_space<hbm>> -> memref<100000x64xf32, #tpu.memory_space<hbm>>
        tpu.enqueue_indirect_dma source(%dma_start3A_436 : memref<100000x64xf32, #tpu.memory_space<hbm>>) target(%arg15 : memref<128x64xf32, #tpu.memory_space<vmem>>) offsets(%dma_start3A_433 : memref<128xi32, #tpu.memory_space<vmem>>) semaphore(%arg25 : memref<!tpu.dma_semaphore, #tpu.memory_space<semaphore_mem>>)
      } else {
      }
      %mul3A_177 = arith.constant 10 : i32
      %mul3A_178 = arith.muli %mul3A_177, %scan3A_152 : i32
      %add3A_179 = arith.constant 1 : i32
      %add3A_180 = arith.addi %mul3A_178, %add3A_179 : i32
      %dma_wait3A_181 = arith.constant 0 : i32
      %dma_wait3A_182 = tpu.memref_slice %arg8[%add3A_180, %dma_wait3A_181] : memref<50x128xi32, #tpu.memory_space<vmem>> -> memref<1x128xi32, #tpu.memory_space<vmem>>
      %dma_wait3A_183 = tpu.memref_squeeze %dma_wait3A_182 : memref<1x128xi32, #tpu.memory_space<vmem>> -> memref<128xi32, #tpu.memory_space<vmem>>
      %dma_wait3A_184 = arith.constant 0 : i32
      %dma_wait3A_185 = arith.constant 0 : i32
      %dma_wait3A_186 = tpu.memref_slice %arg2[%dma_wait3A_184, %dma_wait3A_185] : memref<100000x64xf32, #tpu.memory_space<hbm>> -> memref<100000x64xf32, #tpu.memory_space<hbm>>
      tpu.wait_indirect_dma semaphore(%arg21 : memref<!tpu.dma_semaphore, #tpu.memory_space<semaphore_mem>>) src(%dma_wait3A_186 : memref<100000x64xf32, #tpu.memory_space<hbm>>) dst(%arg11 : memref<128x64xf32, #tpu.memory_space<vmem>>)
      %dma_start3A_187 = arith.constant 0 : i32
      %dma_start3A_188 = tpu.memref_slice %arg6[%add3A_180, %mul3A_2, %dma_start3A_187] : memref<50x4096x128xf32, #tpu.memory_space<hbm>> -> memref<1x128x64xf32, #tpu.memory_space<hbm>>
      %dma_start3A_189 = tpu.memref_squeeze %dma_start3A_188 : memref<1x128x64xf32, #tpu.memory_space<hbm>> -> memref<128x64xf32, #tpu.memory_space<hbm>>
      %dma_start3A_190 = arith.constant 0 : i32
      %dma_start3A_191 = tpu.memref_slice %arg6[%add3A_180, %mul3A_2, %dma_start3A_190] : memref<50x4096x128xf32, #tpu.memory_space<hbm>> -> memref<1x128x64xf32, #tpu.memory_space<hbm>>
      %dma_start3A_192 = tpu.memref_squeeze %dma_start3A_191 : memref<1x128x64xf32, #tpu.memory_space<hbm>> -> memref<128x64xf32, #tpu.memory_space<hbm>>
      tpu.enqueue_dma source(%arg11 : memref<128x64xf32, #tpu.memory_space<vmem>>) target(%dma_start3A_192 : memref<128x64xf32, #tpu.memory_space<hbm>>) target_semaphore(%arg31 : memref<!tpu.dma_semaphore, #tpu.memory_space<semaphore_mem>>)
      %ge3A_193 = arith.constant 5 : i32
      %ge3A_194 = arith.cmpi sge, %add3A_180, %ge3A_193 : i32
      %convert_element_type3A_195 = arith.extui %ge3A_194 : i1 to i32
      %cond3A_196 = arith.constant 0 : i32
      %cond3A_197 = arith.cmpi ne, %convert_element_type3A_195, %cond3A_196 : i32
      scf.if %cond3A_197 {
        %sub3A = arith.constant 5 : i32
        %sub3A_429 = arith.subi %add3A_180, %sub3A : i32
        %dma_wait3A_430 = arith.constant 0 : i32
        %dma_wait3A_431 = tpu.memref_slice %arg6[%sub3A_429, %mul3A_2, %dma_wait3A_430] : memref<50x4096x128xf32, #tpu.memory_space<hbm>> -> memref<1x128x64xf32, #tpu.memory_space<hbm>>
        %dma_wait3A_432 = tpu.memref_squeeze %dma_wait3A_431 : memref<1x128x64xf32, #tpu.memory_space<hbm>> -> memref<128x64xf32, #tpu.memory_space<hbm>>
        %dma_wait3A_433 = arith.constant 0 : i32
        %dma_wait3A_434 = tpu.memref_slice %arg6[%sub3A_429, %mul3A_2, %dma_wait3A_433] : memref<50x4096x128xf32, #tpu.memory_space<hbm>> -> memref<1x128x64xf32, #tpu.memory_space<hbm>>
        %dma_wait3A_435 = tpu.memref_squeeze %dma_wait3A_434 : memref<1x128x64xf32, #tpu.memory_space<hbm>> -> memref<128x64xf32, #tpu.memory_space<hbm>>
        tpu.wait_dma2 semaphore(%arg36 : memref<!tpu.dma_semaphore, #tpu.memory_space<semaphore_mem>>) src(%arg16 : memref<128x64xf32, #tpu.memory_space<vmem>>) dst(%dma_wait3A_435 : memref<128x64xf32, #tpu.memory_space<hbm>>)
      } else {
      }
      %add3A_198 = arith.constant 5 : i32
      %add3A_199 = arith.addi %add3A_180, %add3A_198 : i32
      %lt3A_200 = arith.constant 50 : i32
      %lt3A_201 = arith.cmpi slt, %add3A_199, %lt3A_200 : i32
      %convert_element_type3A_202 = arith.extui %lt3A_201 : i1 to i32
      %cond3A_203 = arith.constant 0 : i32
      %cond3A_204 = arith.cmpi ne, %convert_element_type3A_202, %cond3A_203 : i32
      scf.if %cond3A_204 {
        %add3A_429 = arith.constant 5 : i32
        %add3A_430 = arith.addi %add3A_180, %add3A_429 : i32
        %dma_start3A_431 = arith.constant 0 : i32
        %dma_start3A_432 = tpu.memref_slice %arg8[%add3A_430, %dma_start3A_431] : memref<50x128xi32, #tpu.memory_space<vmem>> -> memref<1x128xi32, #tpu.memory_space<vmem>>
        %dma_start3A_433 = tpu.memref_squeeze %dma_start3A_432 : memref<1x128xi32, #tpu.memory_space<vmem>> -> memref<128xi32, #tpu.memory_space<vmem>>
        %dma_start3A_434 = arith.constant 0 : i32
        %dma_start3A_435 = arith.constant 0 : i32
        %dma_start3A_436 = tpu.memref_slice %arg2[%dma_start3A_434, %dma_start3A_435] : memref<100000x64xf32, #tpu.memory_space<hbm>> -> memref<100000x64xf32, #tpu.memory_space<hbm>>
        tpu.enqueue_indirect_dma source(%dma_start3A_436 : memref<100000x64xf32, #tpu.memory_space<hbm>>) target(%arg16 : memref<128x64xf32, #tpu.memory_space<vmem>>) offsets(%dma_start3A_433 : memref<128xi32, #tpu.memory_space<vmem>>) semaphore(%arg26 : memref<!tpu.dma_semaphore, #tpu.memory_space<semaphore_mem>>)
      } else {
      }
      %mul3A_205 = arith.constant 10 : i32
      %mul3A_206 = arith.muli %mul3A_205, %scan3A_152 : i32
      %add3A_207 = arith.constant 2 : i32
      %add3A_208 = arith.addi %mul3A_206, %add3A_207 : i32
      %dma_wait3A_209 = arith.constant 0 : i32
      %dma_wait3A_210 = tpu.memref_slice %arg8[%add3A_208, %dma_wait3A_209] : memref<50x128xi32, #tpu.memory_space<vmem>> -> memref<1x128xi32, #tpu.memory_space<vmem>>
      %dma_wait3A_211 = tpu.memref_squeeze %dma_wait3A_210 : memref<1x128xi32, #tpu.memory_space<vmem>> -> memref<128xi32, #tpu.memory_space<vmem>>
      %dma_wait3A_212 = arith.constant 0 : i32
      %dma_wait3A_213 = arith.constant 0 : i32
      %dma_wait3A_214 = tpu.memref_slice %arg2[%dma_wait3A_212, %dma_wait3A_213] : memref<100000x64xf32, #tpu.memory_space<hbm>> -> memref<100000x64xf32, #tpu.memory_space<hbm>>
      tpu.wait_indirect_dma semaphore(%arg22 : memref<!tpu.dma_semaphore, #tpu.memory_space<semaphore_mem>>) src(%dma_wait3A_214 : memref<100000x64xf32, #tpu.memory_space<hbm>>) dst(%arg12 : memref<128x64xf32, #tpu.memory_space<vmem>>)
      %dma_start3A_215 = arith.constant 0 : i32
      %dma_start3A_216 = tpu.memref_slice %arg6[%add3A_208, %mul3A_2, %dma_start3A_215] : memref<50x4096x128xf32, #tpu.memory_space<hbm>> -> memref<1x128x64xf32, #tpu.memory_space<hbm>>
      %dma_start3A_217 = tpu.memref_squeeze %dma_start3A_216 : memref<1x128x64xf32, #tpu.memory_space<hbm>> -> memref<128x64xf32, #tpu.memory_space<hbm>>
      %dma_start3A_218 = arith.constant 0 : i32
      %dma_start3A_219 = tpu.memref_slice %arg6[%add3A_208, %mul3A_2, %dma_start3A_218] : memref<50x4096x128xf32, #tpu.memory_space<hbm>> -> memref<1x128x64xf32, #tpu.memory_space<hbm>>
      %dma_start3A_220 = tpu.memref_squeeze %dma_start3A_219 : memref<1x128x64xf32, #tpu.memory_space<hbm>> -> memref<128x64xf32, #tpu.memory_space<hbm>>
      tpu.enqueue_dma source(%arg12 : memref<128x64xf32, #tpu.memory_space<vmem>>) target(%dma_start3A_220 : memref<128x64xf32, #tpu.memory_space<hbm>>) target_semaphore(%arg32 : memref<!tpu.dma_semaphore, #tpu.memory_space<semaphore_mem>>)
      %ge3A_221 = arith.constant 5 : i32
      %ge3A_222 = arith.cmpi sge, %add3A_208, %ge3A_221 : i32
      %convert_element_type3A_223 = arith.extui %ge3A_222 : i1 to i32
      %cond3A_224 = arith.constant 0 : i32
      %cond3A_225 = arith.cmpi ne, %convert_element_type3A_223, %cond3A_224 : i32
      scf.if %cond3A_225 {
        %sub3A = arith.constant 5 : i32
        %sub3A_429 = arith.subi %add3A_208, %sub3A : i32
        %dma_wait3A_430 = arith.constant 0 : i32
        %dma_wait3A_431 = tpu.memref_slice %arg6[%sub3A_429, %mul3A_2, %dma_wait3A_430] : memref<50x4096x128xf32, #tpu.memory_space<hbm>> -> memref<1x128x64xf32, #tpu.memory_space<hbm>>
        %dma_wait3A_432 = tpu.memref_squeeze %dma_wait3A_431 : memref<1x128x64xf32, #tpu.memory_space<hbm>> -> memref<128x64xf32, #tpu.memory_space<hbm>>
        %dma_wait3A_433 = arith.constant 0 : i32
        %dma_wait3A_434 = tpu.memref_slice %arg6[%sub3A_429, %mul3A_2, %dma_wait3A_433] : memref<50x4096x128xf32, #tpu.memory_space<hbm>> -> memref<1x128x64xf32, #tpu.memory_space<hbm>>
        %dma_wait3A_435 = tpu.memref_squeeze %dma_wait3A_434 : memref<1x128x64xf32, #tpu.memory_space<hbm>> -> memref<128x64xf32, #tpu.memory_space<hbm>>
        tpu.wait_dma2 semaphore(%arg37 : memref<!tpu.dma_semaphore, #tpu.memory_space<semaphore_mem>>) src(%arg17 : memref<128x64xf32, #tpu.memory_space<vmem>>) dst(%dma_wait3A_435 : memref<128x64xf32, #tpu.memory_space<hbm>>)
      } else {
      }
      %add3A_226 = arith.constant 5 : i32
      %add3A_227 = arith.addi %add3A_208, %add3A_226 : i32
      %lt3A_228 = arith.constant 50 : i32
      %lt3A_229 = arith.cmpi slt, %add3A_227, %lt3A_228 : i32
      %convert_element_type3A_230 = arith.extui %lt3A_229 : i1 to i32
      %cond3A_231 = arith.constant 0 : i32
      %cond3A_232 = arith.cmpi ne, %convert_element_type3A_230, %cond3A_231 : i32
      scf.if %cond3A_232 {
        %add3A_429 = arith.constant 5 : i32
        %add3A_430 = arith.addi %add3A_208, %add3A_429 : i32
        %dma_start3A_431 = arith.constant 0 : i32
        %dma_start3A_432 = tpu.memref_slice %arg8[%add3A_430, %dma_start3A_431] : memref<50x128xi32, #tpu.memory_space<vmem>> -> memref<1x128xi32, #tpu.memory_space<vmem>>
        %dma_start3A_433 = tpu.memref_squeeze %dma_start3A_432 : memref<1x128xi32, #tpu.memory_space<vmem>> -> memref<128xi32, #tpu.memory_space<vmem>>
        %dma_start3A_434 = arith.constant 0 : i32
        %dma_start3A_435 = arith.constant 0 : i32
        %dma_start3A_436 = tpu.memref_slice %arg2[%dma_start3A_434, %dma_start3A_435] : memref<100000x64xf32, #tpu.memory_space<hbm>> -> memref<100000x64xf32, #tpu.memory_space<hbm>>
        tpu.enqueue_indirect_dma source(%dma_start3A_436 : memref<100000x64xf32, #tpu.memory_space<hbm>>) target(%arg17 : memref<128x64xf32, #tpu.memory_space<vmem>>) offsets(%dma_start3A_433 : memref<128xi32, #tpu.memory_space<vmem>>) semaphore(%arg27 : memref<!tpu.dma_semaphore, #tpu.memory_space<semaphore_mem>>)
      } else {
      }
      %mul3A_233 = arith.constant 10 : i32
      %mul3A_234 = arith.muli %mul3A_233, %scan3A_152 : i32
      %add3A_235 = arith.constant 3 : i32
      %add3A_236 = arith.addi %mul3A_234, %add3A_235 : i32
      %dma_wait3A_237 = arith.constant 0 : i32
      %dma_wait3A_238 = tpu.memref_slice %arg8[%add3A_236, %dma_wait3A_237] : memref<50x128xi32, #tpu.memory_space<vmem>> -> memref<1x128xi32, #tpu.memory_space<vmem>>
      %dma_wait3A_239 = tpu.memref_squeeze %dma_wait3A_238 : memref<1x128xi32, #tpu.memory_space<vmem>> -> memref<128xi32, #tpu.memory_space<vmem>>
      %dma_wait3A_240 = arith.constant 0 : i32
      %dma_wait3A_241 = arith.constant 0 : i32
      %dma_wait3A_242 = tpu.memref_slice %arg2[%dma_wait3A_240, %dma_wait3A_241] : memref<100000x64xf32, #tpu.memory_space<hbm>> -> memref<100000x64xf32, #tpu.memory_space<hbm>>
      tpu.wait_indirect_dma semaphore(%arg23 : memref<!tpu.dma_semaphore, #tpu.memory_space<semaphore_mem>>) src(%dma_wait3A_242 : memref<100000x64xf32, #tpu.memory_space<hbm>>) dst(%arg13 : memref<128x64xf32, #tpu.memory_space<vmem>>)
      %dma_start3A_243 = arith.constant 0 : i32
      %dma_start3A_244 = tpu.memref_slice %arg6[%add3A_236, %mul3A_2, %dma_start3A_243] : memref<50x4096x128xf32, #tpu.memory_space<hbm>> -> memref<1x128x64xf32, #tpu.memory_space<hbm>>
      %dma_start3A_245 = tpu.memref_squeeze %dma_start3A_244 : memref<1x128x64xf32, #tpu.memory_space<hbm>> -> memref<128x64xf32, #tpu.memory_space<hbm>>
      %dma_start3A_246 = arith.constant 0 : i32
      %dma_start3A_247 = tpu.memref_slice %arg6[%add3A_236, %mul3A_2, %dma_start3A_246] : memref<50x4096x128xf32, #tpu.memory_space<hbm>> -> memref<1x128x64xf32, #tpu.memory_space<hbm>>
      %dma_start3A_248 = tpu.memref_squeeze %dma_start3A_247 : memref<1x128x64xf32, #tpu.memory_space<hbm>> -> memref<128x64xf32, #tpu.memory_space<hbm>>
      tpu.enqueue_dma source(%arg13 : memref<128x64xf32, #tpu.memory_space<vmem>>) target(%dma_start3A_248 : memref<128x64xf32, #tpu.memory_space<hbm>>) target_semaphore(%arg33 : memref<!tpu.dma_semaphore, #tpu.memory_space<semaphore_mem>>)
      %ge3A_249 = arith.constant 5 : i32
      %ge3A_250 = arith.cmpi sge, %add3A_236, %ge3A_249 : i32
      %convert_element_type3A_251 = arith.extui %ge3A_250 : i1 to i32
      %cond3A_252 = arith.constant 0 : i32
      %cond3A_253 = arith.cmpi ne, %convert_element_type3A_251, %cond3A_252 : i32
      scf.if %cond3A_253 {
        %sub3A = arith.constant 5 : i32
        %sub3A_429 = arith.subi %add3A_236, %sub3A : i32
        %dma_wait3A_430 = arith.constant 0 : i32
        %dma_wait3A_431 = tpu.memref_slice %arg6[%sub3A_429, %mul3A_2, %dma_wait3A_430] : memref<50x4096x128xf32, #tpu.memory_space<hbm>> -> memref<1x128x64xf32, #tpu.memory_space<hbm>>
        %dma_wait3A_432 = tpu.memref_squeeze %dma_wait3A_431 : memref<1x128x64xf32, #tpu.memory_space<hbm>> -> memref<128x64xf32, #tpu.memory_space<hbm>>
        %dma_wait3A_433 = arith.constant 0 : i32
        %dma_wait3A_434 = tpu.memref_slice %arg6[%sub3A_429, %mul3A_2, %dma_wait3A_433] : memref<50x4096x128xf32, #tpu.memory_space<hbm>> -> memref<1x128x64xf32, #tpu.memory_space<hbm>>
        %dma_wait3A_435 = tpu.memref_squeeze %dma_wait3A_434 : memref<1x128x64xf32, #tpu.memory_space<hbm>> -> memref<128x64xf32, #tpu.memory_space<hbm>>
        tpu.wait_dma2 semaphore(%arg38 : memref<!tpu.dma_semaphore, #tpu.memory_space<semaphore_mem>>) src(%arg18 : memref<128x64xf32, #tpu.memory_space<vmem>>) dst(%dma_wait3A_435 : memref<128x64xf32, #tpu.memory_space<hbm>>)
      } else {
      }
      %add3A_254 = arith.constant 5 : i32
      %add3A_255 = arith.addi %add3A_236, %add3A_254 : i32
      %lt3A_256 = arith.constant 50 : i32
      %lt3A_257 = arith.cmpi slt, %add3A_255, %lt3A_256 : i32
      %convert_element_type3A_258 = arith.extui %lt3A_257 : i1 to i32
      %cond3A_259 = arith.constant 0 : i32
      %cond3A_260 = arith.cmpi ne, %convert_element_type3A_258, %cond3A_259 : i32
      scf.if %cond3A_260 {
        %add3A_429 = arith.constant 5 : i32
        %add3A_430 = arith.addi %add3A_236, %add3A_429 : i32
        %dma_start3A_431 = arith.constant 0 : i32
        %dma_start3A_432 = tpu.memref_slice %arg8[%add3A_430, %dma_start3A_431] : memref<50x128xi32, #tpu.memory_space<vmem>> -> memref<1x128xi32, #tpu.memory_space<vmem>>
        %dma_start3A_433 = tpu.memref_squeeze %dma_start3A_432 : memref<1x128xi32, #tpu.memory_space<vmem>> -> memref<128xi32, #tpu.memory_space<vmem>>
        %dma_start3A_434 = arith.constant 0 : i32
        %dma_start3A_435 = arith.constant 0 : i32
        %dma_start3A_436 = tpu.memref_slice %arg2[%dma_start3A_434, %dma_start3A_435] : memref<100000x64xf32, #tpu.memory_space<hbm>> -> memref<100000x64xf32, #tpu.memory_space<hbm>>
        tpu.enqueue_indirect_dma source(%dma_start3A_436 : memref<100000x64xf32, #tpu.memory_space<hbm>>) target(%arg18 : memref<128x64xf32, #tpu.memory_space<vmem>>) offsets(%dma_start3A_433 : memref<128xi32, #tpu.memory_space<vmem>>) semaphore(%arg28 : memref<!tpu.dma_semaphore, #tpu.memory_space<semaphore_mem>>)
      } else {
      }
      %mul3A_261 = arith.constant 10 : i32
      %mul3A_262 = arith.muli %mul3A_261, %scan3A_152 : i32
      %add3A_263 = arith.constant 4 : i32
      %add3A_264 = arith.addi %mul3A_262, %add3A_263 : i32
      %dma_wait3A_265 = arith.constant 0 : i32
      %dma_wait3A_266 = tpu.memref_slice %arg8[%add3A_264, %dma_wait3A_265] : memref<50x128xi32, #tpu.memory_space<vmem>> -> memref<1x128xi32, #tpu.memory_space<vmem>>
      %dma_wait3A_267 = tpu.memref_squeeze %dma_wait3A_266 : memref<1x128xi32, #tpu.memory_space<vmem>> -> memref<128xi32, #tpu.memory_space<vmem>>
      %dma_wait3A_268 = arith.constant 0 : i32
      %dma_wait3A_269 = arith.constant 0 : i32
      %dma_wait3A_270 = tpu.memref_slice %arg2[%dma_wait3A_268, %dma_wait3A_269] : memref<100000x64xf32, #tpu.memory_space<hbm>> -> memref<100000x64xf32, #tpu.memory_space<hbm>>
      tpu.wait_indirect_dma semaphore(%arg24 : memref<!tpu.dma_semaphore, #tpu.memory_space<semaphore_mem>>) src(%dma_wait3A_270 : memref<100000x64xf32, #tpu.memory_space<hbm>>) dst(%arg14 : memref<128x64xf32, #tpu.memory_space<vmem>>)
      %dma_start3A_271 = arith.constant 0 : i32
      %dma_start3A_272 = tpu.memref_slice %arg6[%add3A_264, %mul3A_2, %dma_start3A_271] : memref<50x4096x128xf32, #tpu.memory_space<hbm>> -> memref<1x128x64xf32, #tpu.memory_space<hbm>>
      %dma_start3A_273 = tpu.memref_squeeze %dma_start3A_272 : memref<1x128x64xf32, #tpu.memory_space<hbm>> -> memref<128x64xf32, #tpu.memory_space<hbm>>
      %dma_start3A_274 = arith.constant 0 : i32
      %dma_start3A_275 = tpu.memref_slice %arg6[%add3A_264, %mul3A_2, %dma_start3A_274] : memref<50x4096x128xf32, #tpu.memory_space<hbm>> -> memref<1x128x64xf32, #tpu.memory_space<hbm>>
      %dma_start3A_276 = tpu.memref_squeeze %dma_start3A_275 : memref<1x128x64xf32, #tpu.memory_space<hbm>> -> memref<128x64xf32, #tpu.memory_space<hbm>>
      tpu.enqueue_dma source(%arg14 : memref<128x64xf32, #tpu.memory_space<vmem>>) target(%dma_start3A_276 : memref<128x64xf32, #tpu.memory_space<hbm>>) target_semaphore(%arg34 : memref<!tpu.dma_semaphore, #tpu.memory_space<semaphore_mem>>)
      %ge3A_277 = arith.constant 5 : i32
      %ge3A_278 = arith.cmpi sge, %add3A_264, %ge3A_277 : i32
      %convert_element_type3A_279 = arith.extui %ge3A_278 : i1 to i32
      %cond3A_280 = arith.constant 0 : i32
      %cond3A_281 = arith.cmpi ne, %convert_element_type3A_279, %cond3A_280 : i32
      scf.if %cond3A_281 {
        %sub3A = arith.constant 5 : i32
        %sub3A_429 = arith.subi %add3A_264, %sub3A : i32
        %dma_wait3A_430 = arith.constant 0 : i32
        %dma_wait3A_431 = tpu.memref_slice %arg6[%sub3A_429, %mul3A_2, %dma_wait3A_430] : memref<50x4096x128xf32, #tpu.memory_space<hbm>> -> memref<1x128x64xf32, #tpu.memory_space<hbm>>
        %dma_wait3A_432 = tpu.memref_squeeze %dma_wait3A_431 : memref<1x128x64xf32, #tpu.memory_space<hbm>> -> memref<128x64xf32, #tpu.memory_space<hbm>>
        %dma_wait3A_433 = arith.constant 0 : i32
        %dma_wait3A_434 = tpu.memref_slice %arg6[%sub3A_429, %mul3A_2, %dma_wait3A_433] : memref<50x4096x128xf32, #tpu.memory_space<hbm>> -> memref<1x128x64xf32, #tpu.memory_space<hbm>>
        %dma_wait3A_435 = tpu.memref_squeeze %dma_wait3A_434 : memref<1x128x64xf32, #tpu.memory_space<hbm>> -> memref<128x64xf32, #tpu.memory_space<hbm>>
        tpu.wait_dma2 semaphore(%arg39 : memref<!tpu.dma_semaphore, #tpu.memory_space<semaphore_mem>>) src(%arg19 : memref<128x64xf32, #tpu.memory_space<vmem>>) dst(%dma_wait3A_435 : memref<128x64xf32, #tpu.memory_space<hbm>>)
      } else {
      }
      %add3A_282 = arith.constant 5 : i32
      %add3A_283 = arith.addi %add3A_264, %add3A_282 : i32
      %lt3A_284 = arith.constant 50 : i32
      %lt3A_285 = arith.cmpi slt, %add3A_283, %lt3A_284 : i32
      %convert_element_type3A_286 = arith.extui %lt3A_285 : i1 to i32
      %cond3A_287 = arith.constant 0 : i32
      %cond3A_288 = arith.cmpi ne, %convert_element_type3A_286, %cond3A_287 : i32
      scf.if %cond3A_288 {
        %add3A_429 = arith.constant 5 : i32
        %add3A_430 = arith.addi %add3A_264, %add3A_429 : i32
        %dma_start3A_431 = arith.constant 0 : i32
        %dma_start3A_432 = tpu.memref_slice %arg8[%add3A_430, %dma_start3A_431] : memref<50x128xi32, #tpu.memory_space<vmem>> -> memref<1x128xi32, #tpu.memory_space<vmem>>
        %dma_start3A_433 = tpu.memref_squeeze %dma_start3A_432 : memref<1x128xi32, #tpu.memory_space<vmem>> -> memref<128xi32, #tpu.memory_space<vmem>>
        %dma_start3A_434 = arith.constant 0 : i32
        %dma_start3A_435 = arith.constant 0 : i32
        %dma_start3A_436 = tpu.memref_slice %arg2[%dma_start3A_434, %dma_start3A_435] : memref<100000x64xf32, #tpu.memory_space<hbm>> -> memref<100000x64xf32, #tpu.memory_space<hbm>>
        tpu.enqueue_indirect_dma source(%dma_start3A_436 : memref<100000x64xf32, #tpu.memory_space<hbm>>) target(%arg19 : memref<128x64xf32, #tpu.memory_space<vmem>>) offsets(%dma_start3A_433 : memref<128xi32, #tpu.memory_space<vmem>>) semaphore(%arg29 : memref<!tpu.dma_semaphore, #tpu.memory_space<semaphore_mem>>)
      } else {
      }
      %mul3A_289 = arith.constant 10 : i32
      %mul3A_290 = arith.muli %mul3A_289, %scan3A_152 : i32
      %add3A_291 = arith.constant 5 : i32
      %add3A_292 = arith.addi %mul3A_290, %add3A_291 : i32
      %dma_wait3A_293 = arith.constant 0 : i32
      %dma_wait3A_294 = tpu.memref_slice %arg8[%add3A_292, %dma_wait3A_293] : memref<50x128xi32, #tpu.memory_space<vmem>> -> memref<1x128xi32, #tpu.memory_space<vmem>>
      %dma_wait3A_295 = tpu.memref_squeeze %dma_wait3A_294 : memref<1x128xi32, #tpu.memory_space<vmem>> -> memref<128xi32, #tpu.memory_space<vmem>>
      %dma_wait3A_296 = arith.constant 0 : i32
      %dma_wait3A_297 = arith.constant 0 : i32
      %dma_wait3A_298 = tpu.memref_slice %arg2[%dma_wait3A_296, %dma_wait3A_297] : memref<100000x64xf32, #tpu.memory_space<hbm>> -> memref<100000x64xf32, #tpu.memory_space<hbm>>
      tpu.wait_indirect_dma semaphore(%arg25 : memref<!tpu.dma_semaphore, #tpu.memory_space<semaphore_mem>>) src(%dma_wait3A_298 : memref<100000x64xf32, #tpu.memory_space<hbm>>) dst(%arg15 : memref<128x64xf32, #tpu.memory_space<vmem>>)
      %dma_start3A_299 = arith.constant 0 : i32
      %dma_start3A_300 = tpu.memref_slice %arg6[%add3A_292, %mul3A_2, %dma_start3A_299] : memref<50x4096x128xf32, #tpu.memory_space<hbm>> -> memref<1x128x64xf32, #tpu.memory_space<hbm>>
      %dma_start3A_301 = tpu.memref_squeeze %dma_start3A_300 : memref<1x128x64xf32, #tpu.memory_space<hbm>> -> memref<128x64xf32, #tpu.memory_space<hbm>>
      %dma_start3A_302 = arith.constant 0 : i32
      %dma_start3A_303 = tpu.memref_slice %arg6[%add3A_292, %mul3A_2, %dma_start3A_302] : memref<50x4096x128xf32, #tpu.memory_space<hbm>> -> memref<1x128x64xf32, #tpu.memory_space<hbm>>
      %dma_start3A_304 = tpu.memref_squeeze %dma_start3A_303 : memref<1x128x64xf32, #tpu.memory_space<hbm>> -> memref<128x64xf32, #tpu.memory_space<hbm>>
      tpu.enqueue_dma source(%arg15 : memref<128x64xf32, #tpu.memory_space<vmem>>) target(%dma_start3A_304 : memref<128x64xf32, #tpu.memory_space<hbm>>) target_semaphore(%arg35 : memref<!tpu.dma_semaphore, #tpu.memory_space<semaphore_mem>>)
      %ge3A_305 = arith.constant 5 : i32
      %ge3A_306 = arith.cmpi sge, %add3A_292, %ge3A_305 : i32
      %convert_element_type3A_307 = arith.extui %ge3A_306 : i1 to i32
      %cond3A_308 = arith.constant 0 : i32
      %cond3A_309 = arith.cmpi ne, %convert_element_type3A_307, %cond3A_308 : i32
      scf.if %cond3A_309 {
        %sub3A = arith.constant 5 : i32
        %sub3A_429 = arith.subi %add3A_292, %sub3A : i32
        %dma_wait3A_430 = arith.constant 0 : i32
        %dma_wait3A_431 = tpu.memref_slice %arg6[%sub3A_429, %mul3A_2, %dma_wait3A_430] : memref<50x4096x128xf32, #tpu.memory_space<hbm>> -> memref<1x128x64xf32, #tpu.memory_space<hbm>>
        %dma_wait3A_432 = tpu.memref_squeeze %dma_wait3A_431 : memref<1x128x64xf32, #tpu.memory_space<hbm>> -> memref<128x64xf32, #tpu.memory_space<hbm>>
        %dma_wait3A_433 = arith.constant 0 : i32
        %dma_wait3A_434 = tpu.memref_slice %arg6[%sub3A_429, %mul3A_2, %dma_wait3A_433] : memref<50x4096x128xf32, #tpu.memory_space<hbm>> -> memref<1x128x64xf32, #tpu.memory_space<hbm>>
        %dma_wait3A_435 = tpu.memref_squeeze %dma_wait3A_434 : memref<1x128x64xf32, #tpu.memory_space<hbm>> -> memref<128x64xf32, #tpu.memory_space<hbm>>
        tpu.wait_dma2 semaphore(%arg30 : memref<!tpu.dma_semaphore, #tpu.memory_space<semaphore_mem>>) src(%arg10 : memref<128x64xf32, #tpu.memory_space<vmem>>) dst(%dma_wait3A_435 : memref<128x64xf32, #tpu.memory_space<hbm>>)
      } else {
      }
      %add3A_310 = arith.constant 5 : i32
      %add3A_311 = arith.addi %add3A_292, %add3A_310 : i32
      %lt3A_312 = arith.constant 50 : i32
      %lt3A_313 = arith.cmpi slt, %add3A_311, %lt3A_312 : i32
      %convert_element_type3A_314 = arith.extui %lt3A_313 : i1 to i32
      %cond3A_315 = arith.constant 0 : i32
      %cond3A_316 = arith.cmpi ne, %convert_element_type3A_314, %cond3A_315 : i32
      scf.if %cond3A_316 {
        %add3A_429 = arith.constant 5 : i32
        %add3A_430 = arith.addi %add3A_292, %add3A_429 : i32
        %dma_start3A_431 = arith.constant 0 : i32
        %dma_start3A_432 = tpu.memref_slice %arg8[%add3A_430, %dma_start3A_431] : memref<50x128xi32, #tpu.memory_space<vmem>> -> memref<1x128xi32, #tpu.memory_space<vmem>>
        %dma_start3A_433 = tpu.memref_squeeze %dma_start3A_432 : memref<1x128xi32, #tpu.memory_space<vmem>> -> memref<128xi32, #tpu.memory_space<vmem>>
        %dma_start3A_434 = arith.constant 0 : i32
        %dma_start3A_435 = arith.constant 0 : i32
        %dma_start3A_436 = tpu.memref_slice %arg2[%dma_start3A_434, %dma_start3A_435] : memref<100000x64xf32, #tpu.memory_space<hbm>> -> memref<100000x64xf32, #tpu.memory_space<hbm>>
        tpu.enqueue_indirect_dma source(%dma_start3A_436 : memref<100000x64xf32, #tpu.memory_space<hbm>>) target(%arg10 : memref<128x64xf32, #tpu.memory_space<vmem>>) offsets(%dma_start3A_433 : memref<128xi32, #tpu.memory_space<vmem>>) semaphore(%arg20 : memref<!tpu.dma_semaphore, #tpu.memory_space<semaphore_mem>>)
      } else {
      }
      %mul3A_317 = arith.constant 10 : i32
      %mul3A_318 = arith.muli %mul3A_317, %scan3A_152 : i32
      %add3A_319 = arith.constant 6 : i32
      %add3A_320 = arith.addi %mul3A_318, %add3A_319 : i32
      %dma_wait3A_321 = arith.constant 0 : i32
      %dma_wait3A_322 = tpu.memref_slice %arg8[%add3A_320, %dma_wait3A_321] : memref<50x128xi32, #tpu.memory_space<vmem>> -> memref<1x128xi32, #tpu.memory_space<vmem>>
      %dma_wait3A_323 = tpu.memref_squeeze %dma_wait3A_322 : memref<1x128xi32, #tpu.memory_space<vmem>> -> memref<128xi32, #tpu.memory_space<vmem>>
      %dma_wait3A_324 = arith.constant 0 : i32
      %dma_wait3A_325 = arith.constant 0 : i32
      %dma_wait3A_326 = tpu.memref_slice %arg2[%dma_wait3A_324, %dma_wait3A_325] : memref<100000x64xf32, #tpu.memory_space<hbm>> -> memref<100000x64xf32, #tpu.memory_space<hbm>>
      tpu.wait_indirect_dma semaphore(%arg26 : memref<!tpu.dma_semaphore, #tpu.memory_space<semaphore_mem>>) src(%dma_wait3A_326 : memref<100000x64xf32, #tpu.memory_space<hbm>>) dst(%arg16 : memref<128x64xf32, #tpu.memory_space<vmem>>)
      %dma_start3A_327 = arith.constant 0 : i32
      %dma_start3A_328 = tpu.memref_slice %arg6[%add3A_320, %mul3A_2, %dma_start3A_327] : memref<50x4096x128xf32, #tpu.memory_space<hbm>> -> memref<1x128x64xf32, #tpu.memory_space<hbm>>
      %dma_start3A_329 = tpu.memref_squeeze %dma_start3A_328 : memref<1x128x64xf32, #tpu.memory_space<hbm>> -> memref<128x64xf32, #tpu.memory_space<hbm>>
      %dma_start3A_330 = arith.constant 0 : i32
      %dma_start3A_331 = tpu.memref_slice %arg6[%add3A_320, %mul3A_2, %dma_start3A_330] : memref<50x4096x128xf32, #tpu.memory_space<hbm>> -> memref<1x128x64xf32, #tpu.memory_space<hbm>>
      %dma_start3A_332 = tpu.memref_squeeze %dma_start3A_331 : memref<1x128x64xf32, #tpu.memory_space<hbm>> -> memref<128x64xf32, #tpu.memory_space<hbm>>
      tpu.enqueue_dma source(%arg16 : memref<128x64xf32, #tpu.memory_space<vmem>>) target(%dma_start3A_332 : memref<128x64xf32, #tpu.memory_space<hbm>>) target_semaphore(%arg36 : memref<!tpu.dma_semaphore, #tpu.memory_space<semaphore_mem>>)
      %ge3A_333 = arith.constant 5 : i32
      %ge3A_334 = arith.cmpi sge, %add3A_320, %ge3A_333 : i32
      %convert_element_type3A_335 = arith.extui %ge3A_334 : i1 to i32
      %cond3A_336 = arith.constant 0 : i32
      %cond3A_337 = arith.cmpi ne, %convert_element_type3A_335, %cond3A_336 : i32
      scf.if %cond3A_337 {
        %sub3A = arith.constant 5 : i32
        %sub3A_429 = arith.subi %add3A_320, %sub3A : i32
        %dma_wait3A_430 = arith.constant 0 : i32
        %dma_wait3A_431 = tpu.memref_slice %arg6[%sub3A_429, %mul3A_2, %dma_wait3A_430] : memref<50x4096x128xf32, #tpu.memory_space<hbm>> -> memref<1x128x64xf32, #tpu.memory_space<hbm>>
        %dma_wait3A_432 = tpu.memref_squeeze %dma_wait3A_431 : memref<1x128x64xf32, #tpu.memory_space<hbm>> -> memref<128x64xf32, #tpu.memory_space<hbm>>
        %dma_wait3A_433 = arith.constant 0 : i32
        %dma_wait3A_434 = tpu.memref_slice %arg6[%sub3A_429, %mul3A_2, %dma_wait3A_433] : memref<50x4096x128xf32, #tpu.memory_space<hbm>> -> memref<1x128x64xf32, #tpu.memory_space<hbm>>
        %dma_wait3A_435 = tpu.memref_squeeze %dma_wait3A_434 : memref<1x128x64xf32, #tpu.memory_space<hbm>> -> memref<128x64xf32, #tpu.memory_space<hbm>>
        tpu.wait_dma2 semaphore(%arg31 : memref<!tpu.dma_semaphore, #tpu.memory_space<semaphore_mem>>) src(%arg11 : memref<128x64xf32, #tpu.memory_space<vmem>>) dst(%dma_wait3A_435 : memref<128x64xf32, #tpu.memory_space<hbm>>)
      } else {
      }
      %add3A_338 = arith.constant 5 : i32
      %add3A_339 = arith.addi %add3A_320, %add3A_338 : i32
      %lt3A_340 = arith.constant 50 : i32
      %lt3A_341 = arith.cmpi slt, %add3A_339, %lt3A_340 : i32
      %convert_element_type3A_342 = arith.extui %lt3A_341 : i1 to i32
      %cond3A_343 = arith.constant 0 : i32
      %cond3A_344 = arith.cmpi ne, %convert_element_type3A_342, %cond3A_343 : i32
      scf.if %cond3A_344 {
        %add3A_429 = arith.constant 5 : i32
        %add3A_430 = arith.addi %add3A_320, %add3A_429 : i32
        %dma_start3A_431 = arith.constant 0 : i32
        %dma_start3A_432 = tpu.memref_slice %arg8[%add3A_430, %dma_start3A_431] : memref<50x128xi32, #tpu.memory_space<vmem>> -> memref<1x128xi32, #tpu.memory_space<vmem>>
        %dma_start3A_433 = tpu.memref_squeeze %dma_start3A_432 : memref<1x128xi32, #tpu.memory_space<vmem>> -> memref<128xi32, #tpu.memory_space<vmem>>
        %dma_start3A_434 = arith.constant 0 : i32
        %dma_start3A_435 = arith.constant 0 : i32
        %dma_start3A_436 = tpu.memref_slice %arg2[%dma_start3A_434, %dma_start3A_435] : memref<100000x64xf32, #tpu.memory_space<hbm>> -> memref<100000x64xf32, #tpu.memory_space<hbm>>
        tpu.enqueue_indirect_dma source(%dma_start3A_436 : memref<100000x64xf32, #tpu.memory_space<hbm>>) target(%arg11 : memref<128x64xf32, #tpu.memory_space<vmem>>) offsets(%dma_start3A_433 : memref<128xi32, #tpu.memory_space<vmem>>) semaphore(%arg21 : memref<!tpu.dma_semaphore, #tpu.memory_space<semaphore_mem>>)
      } else {
      }
      %mul3A_345 = arith.constant 10 : i32
      %mul3A_346 = arith.muli %mul3A_345, %scan3A_152 : i32
      %add3A_347 = arith.constant 7 : i32
      %add3A_348 = arith.addi %mul3A_346, %add3A_347 : i32
      %dma_wait3A_349 = arith.constant 0 : i32
      %dma_wait3A_350 = tpu.memref_slice %arg8[%add3A_348, %dma_wait3A_349] : memref<50x128xi32, #tpu.memory_space<vmem>> -> memref<1x128xi32, #tpu.memory_space<vmem>>
      %dma_wait3A_351 = tpu.memref_squeeze %dma_wait3A_350 : memref<1x128xi32, #tpu.memory_space<vmem>> -> memref<128xi32, #tpu.memory_space<vmem>>
      %dma_wait3A_352 = arith.constant 0 : i32
      %dma_wait3A_353 = arith.constant 0 : i32
      %dma_wait3A_354 = tpu.memref_slice %arg2[%dma_wait3A_352, %dma_wait3A_353] : memref<100000x64xf32, #tpu.memory_space<hbm>> -> memref<100000x64xf32, #tpu.memory_space<hbm>>
      tpu.wait_indirect_dma semaphore(%arg27 : memref<!tpu.dma_semaphore, #tpu.memory_space<semaphore_mem>>) src(%dma_wait3A_354 : memref<100000x64xf32, #tpu.memory_space<hbm>>) dst(%arg17 : memref<128x64xf32, #tpu.memory_space<vmem>>)
      %dma_start3A_355 = arith.constant 0 : i32
      %dma_start3A_356 = tpu.memref_slice %arg6[%add3A_348, %mul3A_2, %dma_start3A_355] : memref<50x4096x128xf32, #tpu.memory_space<hbm>> -> memref<1x128x64xf32, #tpu.memory_space<hbm>>
      %dma_start3A_357 = tpu.memref_squeeze %dma_start3A_356 : memref<1x128x64xf32, #tpu.memory_space<hbm>> -> memref<128x64xf32, #tpu.memory_space<hbm>>
      %dma_start3A_358 = arith.constant 0 : i32
      %dma_start3A_359 = tpu.memref_slice %arg6[%add3A_348, %mul3A_2, %dma_start3A_358] : memref<50x4096x128xf32, #tpu.memory_space<hbm>> -> memref<1x128x64xf32, #tpu.memory_space<hbm>>
      %dma_start3A_360 = tpu.memref_squeeze %dma_start3A_359 : memref<1x128x64xf32, #tpu.memory_space<hbm>> -> memref<128x64xf32, #tpu.memory_space<hbm>>
      tpu.enqueue_dma source(%arg17 : memref<128x64xf32, #tpu.memory_space<vmem>>) target(%dma_start3A_360 : memref<128x64xf32, #tpu.memory_space<hbm>>) target_semaphore(%arg37 : memref<!tpu.dma_semaphore, #tpu.memory_space<semaphore_mem>>)
      %ge3A_361 = arith.constant 5 : i32
      %ge3A_362 = arith.cmpi sge, %add3A_348, %ge3A_361 : i32
      %convert_element_type3A_363 = arith.extui %ge3A_362 : i1 to i32
      %cond3A_364 = arith.constant 0 : i32
      %cond3A_365 = arith.cmpi ne, %convert_element_type3A_363, %cond3A_364 : i32
      scf.if %cond3A_365 {
        %sub3A = arith.constant 5 : i32
        %sub3A_429 = arith.subi %add3A_348, %sub3A : i32
        %dma_wait3A_430 = arith.constant 0 : i32
        %dma_wait3A_431 = tpu.memref_slice %arg6[%sub3A_429, %mul3A_2, %dma_wait3A_430] : memref<50x4096x128xf32, #tpu.memory_space<hbm>> -> memref<1x128x64xf32, #tpu.memory_space<hbm>>
        %dma_wait3A_432 = tpu.memref_squeeze %dma_wait3A_431 : memref<1x128x64xf32, #tpu.memory_space<hbm>> -> memref<128x64xf32, #tpu.memory_space<hbm>>
        %dma_wait3A_433 = arith.constant 0 : i32
        %dma_wait3A_434 = tpu.memref_slice %arg6[%sub3A_429, %mul3A_2, %dma_wait3A_433] : memref<50x4096x128xf32, #tpu.memory_space<hbm>> -> memref<1x128x64xf32, #tpu.memory_space<hbm>>
        %dma_wait3A_435 = tpu.memref_squeeze %dma_wait3A_434 : memref<1x128x64xf32, #tpu.memory_space<hbm>> -> memref<128x64xf32, #tpu.memory_space<hbm>>
        tpu.wait_dma2 semaphore(%arg32 : memref<!tpu.dma_semaphore, #tpu.memory_space<semaphore_mem>>) src(%arg12 : memref<128x64xf32, #tpu.memory_space<vmem>>) dst(%dma_wait3A_435 : memref<128x64xf32, #tpu.memory_space<hbm>>)
      } else {
      }
      %add3A_366 = arith.constant 5 : i32
      %add3A_367 = arith.addi %add3A_348, %add3A_366 : i32
      %lt3A_368 = arith.constant 50 : i32
      %lt3A_369 = arith.cmpi slt, %add3A_367, %lt3A_368 : i32
      %convert_element_type3A_370 = arith.extui %lt3A_369 : i1 to i32
      %cond3A_371 = arith.constant 0 : i32
      %cond3A_372 = arith.cmpi ne, %convert_element_type3A_370, %cond3A_371 : i32
      scf.if %cond3A_372 {
        %add3A_429 = arith.constant 5 : i32
        %add3A_430 = arith.addi %add3A_348, %add3A_429 : i32
        %dma_start3A_431 = arith.constant 0 : i32
        %dma_start3A_432 = tpu.memref_slice %arg8[%add3A_430, %dma_start3A_431] : memref<50x128xi32, #tpu.memory_space<vmem>> -> memref<1x128xi32, #tpu.memory_space<vmem>>
        %dma_start3A_433 = tpu.memref_squeeze %dma_start3A_432 : memref<1x128xi32, #tpu.memory_space<vmem>> -> memref<128xi32, #tpu.memory_space<vmem>>
        %dma_start3A_434 = arith.constant 0 : i32
        %dma_start3A_435 = arith.constant 0 : i32
        %dma_start3A_436 = tpu.memref_slice %arg2[%dma_start3A_434, %dma_start3A_435] : memref<100000x64xf32, #tpu.memory_space<hbm>> -> memref<100000x64xf32, #tpu.memory_space<hbm>>
        tpu.enqueue_indirect_dma source(%dma_start3A_436 : memref<100000x64xf32, #tpu.memory_space<hbm>>) target(%arg12 : memref<128x64xf32, #tpu.memory_space<vmem>>) offsets(%dma_start3A_433 : memref<128xi32, #tpu.memory_space<vmem>>) semaphore(%arg22 : memref<!tpu.dma_semaphore, #tpu.memory_space<semaphore_mem>>)
      } else {
      }
      %mul3A_373 = arith.constant 10 : i32
      %mul3A_374 = arith.muli %mul3A_373, %scan3A_152 : i32
      %add3A_375 = arith.constant 8 : i32
      %add3A_376 = arith.addi %mul3A_374, %add3A_375 : i32
      %dma_wait3A_377 = arith.constant 0 : i32
      %dma_wait3A_378 = tpu.memref_slice %arg8[%add3A_376, %dma_wait3A_377] : memref<50x128xi32, #tpu.memory_space<vmem>> -> memref<1x128xi32, #tpu.memory_space<vmem>>
      %dma_wait3A_379 = tpu.memref_squeeze %dma_wait3A_378 : memref<1x128xi32, #tpu.memory_space<vmem>> -> memref<128xi32, #tpu.memory_space<vmem>>
      %dma_wait3A_380 = arith.constant 0 : i32
      %dma_wait3A_381 = arith.constant 0 : i32
      %dma_wait3A_382 = tpu.memref_slice %arg2[%dma_wait3A_380, %dma_wait3A_381] : memref<100000x64xf32, #tpu.memory_space<hbm>> -> memref<100000x64xf32, #tpu.memory_space<hbm>>
      tpu.wait_indirect_dma semaphore(%arg28 : memref<!tpu.dma_semaphore, #tpu.memory_space<semaphore_mem>>) src(%dma_wait3A_382 : memref<100000x64xf32, #tpu.memory_space<hbm>>) dst(%arg18 : memref<128x64xf32, #tpu.memory_space<vmem>>)
      %dma_start3A_383 = arith.constant 0 : i32
      %dma_start3A_384 = tpu.memref_slice %arg6[%add3A_376, %mul3A_2, %dma_start3A_383] : memref<50x4096x128xf32, #tpu.memory_space<hbm>> -> memref<1x128x64xf32, #tpu.memory_space<hbm>>
      %dma_start3A_385 = tpu.memref_squeeze %dma_start3A_384 : memref<1x128x64xf32, #tpu.memory_space<hbm>> -> memref<128x64xf32, #tpu.memory_space<hbm>>
      %dma_start3A_386 = arith.constant 0 : i32
      %dma_start3A_387 = tpu.memref_slice %arg6[%add3A_376, %mul3A_2, %dma_start3A_386] : memref<50x4096x128xf32, #tpu.memory_space<hbm>> -> memref<1x128x64xf32, #tpu.memory_space<hbm>>
      %dma_start3A_388 = tpu.memref_squeeze %dma_start3A_387 : memref<1x128x64xf32, #tpu.memory_space<hbm>> -> memref<128x64xf32, #tpu.memory_space<hbm>>
      tpu.enqueue_dma source(%arg18 : memref<128x64xf32, #tpu.memory_space<vmem>>) target(%dma_start3A_388 : memref<128x64xf32, #tpu.memory_space<hbm>>) target_semaphore(%arg38 : memref<!tpu.dma_semaphore, #tpu.memory_space<semaphore_mem>>)
      %ge3A_389 = arith.constant 5 : i32
      %ge3A_390 = arith.cmpi sge, %add3A_376, %ge3A_389 : i32
      %convert_element_type3A_391 = arith.extui %ge3A_390 : i1 to i32
      %cond3A_392 = arith.constant 0 : i32
      %cond3A_393 = arith.cmpi ne, %convert_element_type3A_391, %cond3A_392 : i32
      scf.if %cond3A_393 {
        %sub3A = arith.constant 5 : i32
        %sub3A_429 = arith.subi %add3A_376, %sub3A : i32
        %dma_wait3A_430 = arith.constant 0 : i32
        %dma_wait3A_431 = tpu.memref_slice %arg6[%sub3A_429, %mul3A_2, %dma_wait3A_430] : memref<50x4096x128xf32, #tpu.memory_space<hbm>> -> memref<1x128x64xf32, #tpu.memory_space<hbm>>
        %dma_wait3A_432 = tpu.memref_squeeze %dma_wait3A_431 : memref<1x128x64xf32, #tpu.memory_space<hbm>> -> memref<128x64xf32, #tpu.memory_space<hbm>>
        %dma_wait3A_433 = arith.constant 0 : i32
        %dma_wait3A_434 = tpu.memref_slice %arg6[%sub3A_429, %mul3A_2, %dma_wait3A_433] : memref<50x4096x128xf32, #tpu.memory_space<hbm>> -> memref<1x128x64xf32, #tpu.memory_space<hbm>>
        %dma_wait3A_435 = tpu.memref_squeeze %dma_wait3A_434 : memref<1x128x64xf32, #tpu.memory_space<hbm>> -> memref<128x64xf32, #tpu.memory_space<hbm>>
        tpu.wait_dma2 semaphore(%arg33 : memref<!tpu.dma_semaphore, #tpu.memory_space<semaphore_mem>>) src(%arg13 : memref<128x64xf32, #tpu.memory_space<vmem>>) dst(%dma_wait3A_435 : memref<128x64xf32, #tpu.memory_space<hbm>>)
      } else {
      }
      %add3A_394 = arith.constant 5 : i32
      %add3A_395 = arith.addi %add3A_376, %add3A_394 : i32
      %lt3A_396 = arith.constant 50 : i32
      %lt3A_397 = arith.cmpi slt, %add3A_395, %lt3A_396 : i32
      %convert_element_type3A_398 = arith.extui %lt3A_397 : i1 to i32
      %cond3A_399 = arith.constant 0 : i32
      %cond3A_400 = arith.cmpi ne, %convert_element_type3A_398, %cond3A_399 : i32
      scf.if %cond3A_400 {
        %add3A_429 = arith.constant 5 : i32
        %add3A_430 = arith.addi %add3A_376, %add3A_429 : i32
        %dma_start3A_431 = arith.constant 0 : i32
        %dma_start3A_432 = tpu.memref_slice %arg8[%add3A_430, %dma_start3A_431] : memref<50x128xi32, #tpu.memory_space<vmem>> -> memref<1x128xi32, #tpu.memory_space<vmem>>
        %dma_start3A_433 = tpu.memref_squeeze %dma_start3A_432 : memref<1x128xi32, #tpu.memory_space<vmem>> -> memref<128xi32, #tpu.memory_space<vmem>>
        %dma_start3A_434 = arith.constant 0 : i32
        %dma_start3A_435 = arith.constant 0 : i32
        %dma_start3A_436 = tpu.memref_slice %arg2[%dma_start3A_434, %dma_start3A_435] : memref<100000x64xf32, #tpu.memory_space<hbm>> -> memref<100000x64xf32, #tpu.memory_space<hbm>>
        tpu.enqueue_indirect_dma source(%dma_start3A_436 : memref<100000x64xf32, #tpu.memory_space<hbm>>) target(%arg13 : memref<128x64xf32, #tpu.memory_space<vmem>>) offsets(%dma_start3A_433 : memref<128xi32, #tpu.memory_space<vmem>>) semaphore(%arg23 : memref<!tpu.dma_semaphore, #tpu.memory_space<semaphore_mem>>)
      } else {
      }
      %mul3A_401 = arith.constant 10 : i32
      %mul3A_402 = arith.muli %mul3A_401, %scan3A_152 : i32
      %add3A_403 = arith.constant 9 : i32
      %add3A_404 = arith.addi %mul3A_402, %add3A_403 : i32
      %dma_wait3A_405 = arith.constant 0 : i32
      %dma_wait3A_406 = tpu.memref_slice %arg8[%add3A_404, %dma_wait3A_405] : memref<50x128xi32, #tpu.memory_space<vmem>> -> memref<1x128xi32, #tpu.memory_space<vmem>>
      %dma_wait3A_407 = tpu.memref_squeeze %dma_wait3A_406 : memref<1x128xi32, #tpu.memory_space<vmem>> -> memref<128xi32, #tpu.memory_space<vmem>>
      %dma_wait3A_408 = arith.constant 0 : i32
      %dma_wait3A_409 = arith.constant 0 : i32
      %dma_wait3A_410 = tpu.memref_slice %arg2[%dma_wait3A_408, %dma_wait3A_409] : memref<100000x64xf32, #tpu.memory_space<hbm>> -> memref<100000x64xf32, #tpu.memory_space<hbm>>
      tpu.wait_indirect_dma semaphore(%arg29 : memref<!tpu.dma_semaphore, #tpu.memory_space<semaphore_mem>>) src(%dma_wait3A_410 : memref<100000x64xf32, #tpu.memory_space<hbm>>) dst(%arg19 : memref<128x64xf32, #tpu.memory_space<vmem>>)
      %dma_start3A_411 = arith.constant 0 : i32
      %dma_start3A_412 = tpu.memref_slice %arg6[%add3A_404, %mul3A_2, %dma_start3A_411] : memref<50x4096x128xf32, #tpu.memory_space<hbm>> -> memref<1x128x64xf32, #tpu.memory_space<hbm>>
      %dma_start3A_413 = tpu.memref_squeeze %dma_start3A_412 : memref<1x128x64xf32, #tpu.memory_space<hbm>> -> memref<128x64xf32, #tpu.memory_space<hbm>>
      %dma_start3A_414 = arith.constant 0 : i32
      %dma_start3A_415 = tpu.memref_slice %arg6[%add3A_404, %mul3A_2, %dma_start3A_414] : memref<50x4096x128xf32, #tpu.memory_space<hbm>> -> memref<1x128x64xf32, #tpu.memory_space<hbm>>
      %dma_start3A_416 = tpu.memref_squeeze %dma_start3A_415 : memref<1x128x64xf32, #tpu.memory_space<hbm>> -> memref<128x64xf32, #tpu.memory_space<hbm>>
      tpu.enqueue_dma source(%arg19 : memref<128x64xf32, #tpu.memory_space<vmem>>) target(%dma_start3A_416 : memref<128x64xf32, #tpu.memory_space<hbm>>) target_semaphore(%arg39 : memref<!tpu.dma_semaphore, #tpu.memory_space<semaphore_mem>>)
      %ge3A_417 = arith.constant 5 : i32
      %ge3A_418 = arith.cmpi sge, %add3A_404, %ge3A_417 : i32
      %convert_element_type3A_419 = arith.extui %ge3A_418 : i1 to i32
      %cond3A_420 = arith.constant 0 : i32
      %cond3A_421 = arith.cmpi ne, %convert_element_type3A_419, %cond3A_420 : i32
      scf.if %cond3A_421 {
        %sub3A = arith.constant 5 : i32
        %sub3A_429 = arith.subi %add3A_404, %sub3A : i32
        %dma_wait3A_430 = arith.constant 0 : i32
        %dma_wait3A_431 = tpu.memref_slice %arg6[%sub3A_429, %mul3A_2, %dma_wait3A_430] : memref<50x4096x128xf32, #tpu.memory_space<hbm>> -> memref<1x128x64xf32, #tpu.memory_space<hbm>>
        %dma_wait3A_432 = tpu.memref_squeeze %dma_wait3A_431 : memref<1x128x64xf32, #tpu.memory_space<hbm>> -> memref<128x64xf32, #tpu.memory_space<hbm>>
        %dma_wait3A_433 = arith.constant 0 : i32
        %dma_wait3A_434 = tpu.memref_slice %arg6[%sub3A_429, %mul3A_2, %dma_wait3A_433] : memref<50x4096x128xf32, #tpu.memory_space<hbm>> -> memref<1x128x64xf32, #tpu.memory_space<hbm>>
        %dma_wait3A_435 = tpu.memref_squeeze %dma_wait3A_434 : memref<1x128x64xf32, #tpu.memory_space<hbm>> -> memref<128x64xf32, #tpu.memory_space<hbm>>
        tpu.wait_dma2 semaphore(%arg34 : memref<!tpu.dma_semaphore, #tpu.memory_space<semaphore_mem>>) src(%arg14 : memref<128x64xf32, #tpu.memory_space<vmem>>) dst(%dma_wait3A_435 : memref<128x64xf32, #tpu.memory_space<hbm>>)
      } else {
      }
      %add3A_422 = arith.constant 5 : i32
      %add3A_423 = arith.addi %add3A_404, %add3A_422 : i32
      %lt3A_424 = arith.constant 50 : i32
      %lt3A_425 = arith.cmpi slt, %add3A_423, %lt3A_424 : i32
      %convert_element_type3A_426 = arith.extui %lt3A_425 : i1 to i32
      %cond3A_427 = arith.constant 0 : i32
      %cond3A_428 = arith.cmpi ne, %convert_element_type3A_426, %cond3A_427 : i32
      scf.if %cond3A_428 {
        %add3A_429 = arith.constant 5 : i32
        %add3A_430 = arith.addi %add3A_404, %add3A_429 : i32
        %dma_start3A_431 = arith.constant 0 : i32
        %dma_start3A_432 = tpu.memref_slice %arg8[%add3A_430, %dma_start3A_431] : memref<50x128xi32, #tpu.memory_space<vmem>> -> memref<1x128xi32, #tpu.memory_space<vmem>>
        %dma_start3A_433 = tpu.memref_squeeze %dma_start3A_432 : memref<1x128xi32, #tpu.memory_space<vmem>> -> memref<128xi32, #tpu.memory_space<vmem>>
        %dma_start3A_434 = arith.constant 0 : i32
        %dma_start3A_435 = arith.constant 0 : i32
        %dma_start3A_436 = tpu.memref_slice %arg2[%dma_start3A_434, %dma_start3A_435] : memref<100000x64xf32, #tpu.memory_space<hbm>> -> memref<100000x64xf32, #tpu.memory_space<hbm>>
        tpu.enqueue_indirect_dma source(%dma_start3A_436 : memref<100000x64xf32, #tpu.memory_space<hbm>>) target(%arg14 : memref<128x64xf32, #tpu.memory_space<vmem>>) offsets(%dma_start3A_433 : memref<128xi32, #tpu.memory_space<vmem>>) semaphore(%arg24 : memref<!tpu.dma_semaphore, #tpu.memory_space<semaphore_mem>>)
      } else {
      }
    }
    %scan3A_41 = arith.constant 5 : i32
    %dma_wait3A = arith.constant 45 : i32
    %dma_wait3A_42 = arith.constant 0 : i32
    %dma_wait3A_43 = tpu.memref_slice %arg6[%dma_wait3A, %mul3A_2, %dma_wait3A_42] : memref<50x4096x128xf32, #tpu.memory_space<hbm>> -> memref<1x128x64xf32, #tpu.memory_space<hbm>>
    %dma_wait3A_44 = tpu.memref_squeeze %dma_wait3A_43 : memref<1x128x64xf32, #tpu.memory_space<hbm>> -> memref<128x64xf32, #tpu.memory_space<hbm>>
    %dma_wait3A_45 = arith.constant 0 : i32
    %dma_wait3A_46 = tpu.memref_slice %arg6[%dma_wait3A, %mul3A_2, %dma_wait3A_45] : memref<50x4096x128xf32, #tpu.memory_space<hbm>> -> memref<1x128x64xf32, #tpu.memory_space<hbm>>
    %dma_wait3A_47 = tpu.memref_squeeze %dma_wait3A_46 : memref<1x128x64xf32, #tpu.memory_space<hbm>> -> memref<128x64xf32, #tpu.memory_space<hbm>>
    tpu.wait_dma2 semaphore(%arg35 : memref<!tpu.dma_semaphore, #tpu.memory_space<semaphore_mem>>) src(%arg15 : memref<128x64xf32, #tpu.memory_space<vmem>>) dst(%dma_wait3A_47 : memref<128x64xf32, #tpu.memory_space<hbm>>)
    %dma_wait3A_48 = arith.constant 46 : i32
    %dma_wait3A_49 = arith.constant 0 : i32
    %dma_wait3A_50 = tpu.memref_slice %arg6[%dma_wait3A_48, %mul3A_2, %dma_wait3A_49] : memref<50x4096x128xf32, #tpu.memory_space<hbm>> -> memref<1x128x64xf32, #tpu.memory_space<hbm>>
    %dma_wait3A_51 = tpu.memref_squeeze %dma_wait3A_50 : memref<1x128x64xf32, #tpu.memory_space<hbm>> -> memref<128x64xf32, #tpu.memory_space<hbm>>
    %dma_wait3A_52 = arith.constant 0 : i32
    %dma_wait3A_53 = tpu.memref_slice %arg6[%dma_wait3A_48, %mul3A_2, %dma_wait3A_52] : memref<50x4096x128xf32, #tpu.memory_space<hbm>> -> memref<1x128x64xf32, #tpu.memory_space<hbm>>
    %dma_wait3A_54 = tpu.memref_squeeze %dma_wait3A_53 : memref<1x128x64xf32, #tpu.memory_space<hbm>> -> memref<128x64xf32, #tpu.memory_space<hbm>>
    tpu.wait_dma2 semaphore(%arg36 : memref<!tpu.dma_semaphore, #tpu.memory_space<semaphore_mem>>) src(%arg16 : memref<128x64xf32, #tpu.memory_space<vmem>>) dst(%dma_wait3A_54 : memref<128x64xf32, #tpu.memory_space<hbm>>)
    %dma_wait3A_55 = arith.constant 47 : i32
    %dma_wait3A_56 = arith.constant 0 : i32
    %dma_wait3A_57 = tpu.memref_slice %arg6[%dma_wait3A_55, %mul3A_2, %dma_wait3A_56] : memref<50x4096x128xf32, #tpu.memory_space<hbm>> -> memref<1x128x64xf32, #tpu.memory_space<hbm>>
    %dma_wait3A_58 = tpu.memref_squeeze %dma_wait3A_57 : memref<1x128x64xf32, #tpu.memory_space<hbm>> -> memref<128x64xf32, #tpu.memory_space<hbm>>
    %dma_wait3A_59 = arith.constant 0 : i32
    %dma_wait3A_60 = tpu.memref_slice %arg6[%dma_wait3A_55, %mul3A_2, %dma_wait3A_59] : memref<50x4096x128xf32, #tpu.memory_space<hbm>> -> memref<1x128x64xf32, #tpu.memory_space<hbm>>
    %dma_wait3A_61 = tpu.memref_squeeze %dma_wait3A_60 : memref<1x128x64xf32, #tpu.memory_space<hbm>> -> memref<128x64xf32, #tpu.memory_space<hbm>>
    tpu.wait_dma2 semaphore(%arg37 : memref<!tpu.dma_semaphore, #tpu.memory_space<semaphore_mem>>) src(%arg17 : memref<128x64xf32, #tpu.memory_space<vmem>>) dst(%dma_wait3A_61 : memref<128x64xf32, #tpu.memory_space<hbm>>)
    %dma_wait3A_62 = arith.constant 48 : i32
    %dma_wait3A_63 = arith.constant 0 : i32
    %dma_wait3A_64 = tpu.memref_slice %arg6[%dma_wait3A_62, %mul3A_2, %dma_wait3A_63] : memref<50x4096x128xf32, #tpu.memory_space<hbm>> -> memref<1x128x64xf32, #tpu.memory_space<hbm>>
    %dma_wait3A_65 = tpu.memref_squeeze %dma_wait3A_64 : memref<1x128x64xf32, #tpu.memory_space<hbm>> -> memref<128x64xf32, #tpu.memory_space<hbm>>
    %dma_wait3A_66 = arith.constant 0 : i32
    %dma_wait3A_67 = tpu.memref_slice %arg6[%dma_wait3A_62, %mul3A_2, %dma_wait3A_66] : memref<50x4096x128xf32, #tpu.memory_space<hbm>> -> memref<1x128x64xf32, #tpu.memory_space<hbm>>
    %dma_wait3A_68 = tpu.memref_squeeze %dma_wait3A_67 : memref<1x128x64xf32, #tpu.memory_space<hbm>> -> memref<128x64xf32, #tpu.memory_space<hbm>>
    tpu.wait_dma2 semaphore(%arg38 : memref<!tpu.dma_semaphore, #tpu.memory_space<semaphore_mem>>) src(%arg18 : memref<128x64xf32, #tpu.memory_space<vmem>>) dst(%dma_wait3A_68 : memref<128x64xf32, #tpu.memory_space<hbm>>)
    %dma_wait3A_69 = arith.constant 49 : i32
    %dma_wait3A_70 = arith.constant 0 : i32
    %dma_wait3A_71 = tpu.memref_slice %arg6[%dma_wait3A_69, %mul3A_2, %dma_wait3A_70] : memref<50x4096x128xf32, #tpu.memory_space<hbm>> -> memref<1x128x64xf32, #tpu.memory_space<hbm>>
    %dma_wait3A_72 = tpu.memref_squeeze %dma_wait3A_71 : memref<1x128x64xf32, #tpu.memory_space<hbm>> -> memref<128x64xf32, #tpu.memory_space<hbm>>
    %dma_wait3A_73 = arith.constant 0 : i32
    %dma_wait3A_74 = tpu.memref_slice %arg6[%dma_wait3A_69, %mul3A_2, %dma_wait3A_73] : memref<50x4096x128xf32, #tpu.memory_space<hbm>> -> memref<1x128x64xf32, #tpu.memory_space<hbm>>
    %dma_wait3A_75 = tpu.memref_squeeze %dma_wait3A_74 : memref<1x128x64xf32, #tpu.memory_space<hbm>> -> memref<128x64xf32, #tpu.memory_space<hbm>>
    tpu.wait_dma2 semaphore(%arg39 : memref<!tpu.dma_semaphore, #tpu.memory_space<semaphore_mem>>) src(%arg19 : memref<128x64xf32, #tpu.memory_space<vmem>>) dst(%dma_wait3A_75 : memref<128x64xf32, #tpu.memory_space<hbm>>)
    %dma_start3A_76 = arith.constant 0 : i32
    %dma_start3A_77 = arith.constant 0 : i32
    %dma_start3A_78 = tpu.memref_slice %arg9[%dma_start3A_76, %dma_start3A_77] : memref<50x128xi32, #tpu.memory_space<vmem>> -> memref<1x128xi32, #tpu.memory_space<vmem>>
    %dma_start3A_79 = tpu.memref_squeeze %dma_start3A_78 : memref<1x128xi32, #tpu.memory_space<vmem>> -> memref<128xi32, #tpu.memory_space<vmem>>
    %dma_start3A_80 = arith.constant 0 : i32
    %dma_start3A_81 = arith.constant 0 : i32
    %dma_start3A_82 = tpu.memref_slice %arg3[%dma_start3A_80, %dma_start3A_81] : memref<100000x64xf32, #tpu.memory_space<hbm>> -> memref<100000x64xf32, #tpu.memory_space<hbm>>
    tpu.enqueue_indirect_dma source(%dma_start3A_82 : memref<100000x64xf32, #tpu.memory_space<hbm>>) target(%arg10 : memref<128x64xf32, #tpu.memory_space<vmem>>) offsets(%dma_start3A_79 : memref<128xi32, #tpu.memory_space<vmem>>) semaphore(%arg20 : memref<!tpu.dma_semaphore, #tpu.memory_space<semaphore_mem>>)
    %dma_start3A_83 = arith.constant 1 : i32
    %dma_start3A_84 = arith.constant 0 : i32
    %dma_start3A_85 = tpu.memref_slice %arg9[%dma_start3A_83, %dma_start3A_84] : memref<50x128xi32, #tpu.memory_space<vmem>> -> memref<1x128xi32, #tpu.memory_space<vmem>>
    %dma_start3A_86 = tpu.memref_squeeze %dma_start3A_85 : memref<1x128xi32, #tpu.memory_space<vmem>> -> memref<128xi32, #tpu.memory_space<vmem>>
    %dma_start3A_87 = arith.constant 0 : i32
    %dma_start3A_88 = arith.constant 0 : i32
    %dma_start3A_89 = tpu.memref_slice %arg3[%dma_start3A_87, %dma_start3A_88] : memref<100000x64xf32, #tpu.memory_space<hbm>> -> memref<100000x64xf32, #tpu.memory_space<hbm>>
    tpu.enqueue_indirect_dma source(%dma_start3A_89 : memref<100000x64xf32, #tpu.memory_space<hbm>>) target(%arg11 : memref<128x64xf32, #tpu.memory_space<vmem>>) offsets(%dma_start3A_86 : memref<128xi32, #tpu.memory_space<vmem>>) semaphore(%arg21 : memref<!tpu.dma_semaphore, #tpu.memory_space<semaphore_mem>>)
    %dma_start3A_90 = arith.constant 2 : i32
    %dma_start3A_91 = arith.constant 0 : i32
    %dma_start3A_92 = tpu.memref_slice %arg9[%dma_start3A_90, %dma_start3A_91] : memref<50x128xi32, #tpu.memory_space<vmem>> -> memref<1x128xi32, #tpu.memory_space<vmem>>
    %dma_start3A_93 = tpu.memref_squeeze %dma_start3A_92 : memref<1x128xi32, #tpu.memory_space<vmem>> -> memref<128xi32, #tpu.memory_space<vmem>>
    %dma_start3A_94 = arith.constant 0 : i32
    %dma_start3A_95 = arith.constant 0 : i32
    %dma_start3A_96 = tpu.memref_slice %arg3[%dma_start3A_94, %dma_start3A_95] : memref<100000x64xf32, #tpu.memory_space<hbm>> -> memref<100000x64xf32, #tpu.memory_space<hbm>>
    tpu.enqueue_indirect_dma source(%dma_start3A_96 : memref<100000x64xf32, #tpu.memory_space<hbm>>) target(%arg12 : memref<128x64xf32, #tpu.memory_space<vmem>>) offsets(%dma_start3A_93 : memref<128xi32, #tpu.memory_space<vmem>>) semaphore(%arg22 : memref<!tpu.dma_semaphore, #tpu.memory_space<semaphore_mem>>)
    %dma_start3A_97 = arith.constant 3 : i32
    %dma_start3A_98 = arith.constant 0 : i32
    %dma_start3A_99 = tpu.memref_slice %arg9[%dma_start3A_97, %dma_start3A_98] : memref<50x128xi32, #tpu.memory_space<vmem>> -> memref<1x128xi32, #tpu.memory_space<vmem>>
    %dma_start3A_100 = tpu.memref_squeeze %dma_start3A_99 : memref<1x128xi32, #tpu.memory_space<vmem>> -> memref<128xi32, #tpu.memory_space<vmem>>
    %dma_start3A_101 = arith.constant 0 : i32
    %dma_start3A_102 = arith.constant 0 : i32
    %dma_start3A_103 = tpu.memref_slice %arg3[%dma_start3A_101, %dma_start3A_102] : memref<100000x64xf32, #tpu.memory_space<hbm>> -> memref<100000x64xf32, #tpu.memory_space<hbm>>
    tpu.enqueue_indirect_dma source(%dma_start3A_103 : memref<100000x64xf32, #tpu.memory_space<hbm>>) target(%arg13 : memref<128x64xf32, #tpu.memory_space<vmem>>) offsets(%dma_start3A_100 : memref<128xi32, #tpu.memory_space<vmem>>) semaphore(%arg23 : memref<!tpu.dma_semaphore, #tpu.memory_space<semaphore_mem>>)
    %dma_start3A_104 = arith.constant 4 : i32
    %dma_start3A_105 = arith.constant 0 : i32
    %dma_start3A_106 = tpu.memref_slice %arg9[%dma_start3A_104, %dma_start3A_105] : memref<50x128xi32, #tpu.memory_space<vmem>> -> memref<1x128xi32, #tpu.memory_space<vmem>>
    %dma_start3A_107 = tpu.memref_squeeze %dma_start3A_106 : memref<1x128xi32, #tpu.memory_space<vmem>> -> memref<128xi32, #tpu.memory_space<vmem>>
    %dma_start3A_108 = arith.constant 0 : i32
    %dma_start3A_109 = arith.constant 0 : i32
    %dma_start3A_110 = tpu.memref_slice %arg3[%dma_start3A_108, %dma_start3A_109] : memref<100000x64xf32, #tpu.memory_space<hbm>> -> memref<100000x64xf32, #tpu.memory_space<hbm>>
    tpu.enqueue_indirect_dma source(%dma_start3A_110 : memref<100000x64xf32, #tpu.memory_space<hbm>>) target(%arg14 : memref<128x64xf32, #tpu.memory_space<vmem>>) offsets(%dma_start3A_107 : memref<128xi32, #tpu.memory_space<vmem>>) semaphore(%arg24 : memref<!tpu.dma_semaphore, #tpu.memory_space<semaphore_mem>>)
    %scan3A_111 = arith.constant 0 : i32
    %scan3A_112 = arith.constant 0 : i32
    %scan3A_113 = arith.constant 5 : i32
    %scan3A_114 = arith.addi %scan3A_112, %scan3A_113 : i32
    %scan3A_115 = arith.constant 1 : i32
    scf.for %scan3A_152 = %scan3A_112 to %scan3A_114 step %scan3A_115  : i32 {
      %mul3A_153 = arith.constant 10 : i32
      %mul3A_154 = arith.muli %mul3A_153, %scan3A_152 : i32
      %add3A_155 = arith.constant 0 : i32
      %add3A_156 = arith.addi %mul3A_154, %add3A_155 : i32
      %dma_wait3A_157 = arith.constant 0 : i32
      %dma_wait3A_158 = tpu.memref_slice %arg9[%add3A_156, %dma_wait3A_157] : memref<50x128xi32, #tpu.memory_space<vmem>> -> memref<1x128xi32, #tpu.memory_space<vmem>>
      %dma_wait3A_159 = tpu.memref_squeeze %dma_wait3A_158 : memref<1x128xi32, #tpu.memory_space<vmem>> -> memref<128xi32, #tpu.memory_space<vmem>>
      %dma_wait3A_160 = arith.constant 0 : i32
      %dma_wait3A_161 = arith.constant 0 : i32
      %dma_wait3A_162 = tpu.memref_slice %arg3[%dma_wait3A_160, %dma_wait3A_161] : memref<100000x64xf32, #tpu.memory_space<hbm>> -> memref<100000x64xf32, #tpu.memory_space<hbm>>
      tpu.wait_indirect_dma semaphore(%arg20 : memref<!tpu.dma_semaphore, #tpu.memory_space<semaphore_mem>>) src(%dma_wait3A_162 : memref<100000x64xf32, #tpu.memory_space<hbm>>) dst(%arg10 : memref<128x64xf32, #tpu.memory_space<vmem>>)
      %dma_start3A_163 = arith.constant 0 : i32
      %dma_start3A_164 = tpu.memref_slice %arg7[%add3A_156, %mul3A_2, %dma_start3A_163] : memref<50x4096x128xf32, #tpu.memory_space<hbm>> -> memref<1x128x64xf32, #tpu.memory_space<hbm>>
      %dma_start3A_165 = tpu.memref_squeeze %dma_start3A_164 : memref<1x128x64xf32, #tpu.memory_space<hbm>> -> memref<128x64xf32, #tpu.memory_space<hbm>>
      %dma_start3A_166 = arith.constant 0 : i32
      %dma_start3A_167 = tpu.memref_slice %arg7[%add3A_156, %mul3A_2, %dma_start3A_166] : memref<50x4096x128xf32, #tpu.memory_space<hbm>> -> memref<1x128x64xf32, #tpu.memory_space<hbm>>
      %dma_start3A_168 = tpu.memref_squeeze %dma_start3A_167 : memref<1x128x64xf32, #tpu.memory_space<hbm>> -> memref<128x64xf32, #tpu.memory_space<hbm>>
      tpu.enqueue_dma source(%arg10 : memref<128x64xf32, #tpu.memory_space<vmem>>) target(%dma_start3A_168 : memref<128x64xf32, #tpu.memory_space<hbm>>) target_semaphore(%arg30 : memref<!tpu.dma_semaphore, #tpu.memory_space<semaphore_mem>>)
      %ge3A = arith.constant 5 : i32
      %ge3A_169 = arith.cmpi sge, %add3A_156, %ge3A : i32
      %convert_element_type3A = arith.extui %ge3A_169 : i1 to i32
      %cond3A = arith.constant 0 : i32
      %cond3A_170 = arith.cmpi ne, %convert_element_type3A, %cond3A : i32
      scf.if %cond3A_170 {
        %sub3A = arith.constant 5 : i32
        %sub3A_429 = arith.subi %add3A_156, %sub3A : i32
        %dma_wait3A_430 = arith.constant 0 : i32
        %dma_wait3A_431 = tpu.memref_slice %arg7[%sub3A_429, %mul3A_2, %dma_wait3A_430] : memref<50x4096x128xf32, #tpu.memory_space<hbm>> -> memref<1x128x64xf32, #tpu.memory_space<hbm>>
        %dma_wait3A_432 = tpu.memref_squeeze %dma_wait3A_431 : memref<1x128x64xf32, #tpu.memory_space<hbm>> -> memref<128x64xf32, #tpu.memory_space<hbm>>
        %dma_wait3A_433 = arith.constant 0 : i32
        %dma_wait3A_434 = tpu.memref_slice %arg7[%sub3A_429, %mul3A_2, %dma_wait3A_433] : memref<50x4096x128xf32, #tpu.memory_space<hbm>> -> memref<1x128x64xf32, #tpu.memory_space<hbm>>
        %dma_wait3A_435 = tpu.memref_squeeze %dma_wait3A_434 : memref<1x128x64xf32, #tpu.memory_space<hbm>> -> memref<128x64xf32, #tpu.memory_space<hbm>>
        tpu.wait_dma2 semaphore(%arg35 : memref<!tpu.dma_semaphore, #tpu.memory_space<semaphore_mem>>) src(%arg15 : memref<128x64xf32, #tpu.memory_space<vmem>>) dst(%dma_wait3A_435 : memref<128x64xf32, #tpu.memory_space<hbm>>)
      } else {
      }
      %add3A_171 = arith.constant 5 : i32
      %add3A_172 = arith.addi %add3A_156, %add3A_171 : i32
      %lt3A = arith.constant 50 : i32
      %lt3A_173 = arith.cmpi slt, %add3A_172, %lt3A : i32
      %convert_element_type3A_174 = arith.extui %lt3A_173 : i1 to i32
      %cond3A_175 = arith.constant 0 : i32
      %cond3A_176 = arith.cmpi ne, %convert_element_type3A_174, %cond3A_175 : i32
      scf.if %cond3A_176 {
        %add3A_429 = arith.constant 5 : i32
        %add3A_430 = arith.addi %add3A_156, %add3A_429 : i32
        %dma_start3A_431 = arith.constant 0 : i32
        %dma_start3A_432 = tpu.memref_slice %arg9[%add3A_430, %dma_start3A_431] : memref<50x128xi32, #tpu.memory_space<vmem>> -> memref<1x128xi32, #tpu.memory_space<vmem>>
        %dma_start3A_433 = tpu.memref_squeeze %dma_start3A_432 : memref<1x128xi32, #tpu.memory_space<vmem>> -> memref<128xi32, #tpu.memory_space<vmem>>
        %dma_start3A_434 = arith.constant 0 : i32
        %dma_start3A_435 = arith.constant 0 : i32
        %dma_start3A_436 = tpu.memref_slice %arg3[%dma_start3A_434, %dma_start3A_435] : memref<100000x64xf32, #tpu.memory_space<hbm>> -> memref<100000x64xf32, #tpu.memory_space<hbm>>
        tpu.enqueue_indirect_dma source(%dma_start3A_436 : memref<100000x64xf32, #tpu.memory_space<hbm>>) target(%arg15 : memref<128x64xf32, #tpu.memory_space<vmem>>) offsets(%dma_start3A_433 : memref<128xi32, #tpu.memory_space<vmem>>) semaphore(%arg25 : memref<!tpu.dma_semaphore, #tpu.memory_space<semaphore_mem>>)
      } else {
      }
      %mul3A_177 = arith.constant 10 : i32
      %mul3A_178 = arith.muli %mul3A_177, %scan3A_152 : i32
      %add3A_179 = arith.constant 1 : i32
      %add3A_180 = arith.addi %mul3A_178, %add3A_179 : i32
      %dma_wait3A_181 = arith.constant 0 : i32
      %dma_wait3A_182 = tpu.memref_slice %arg9[%add3A_180, %dma_wait3A_181] : memref<50x128xi32, #tpu.memory_space<vmem>> -> memref<1x128xi32, #tpu.memory_space<vmem>>
      %dma_wait3A_183 = tpu.memref_squeeze %dma_wait3A_182 : memref<1x128xi32, #tpu.memory_space<vmem>> -> memref<128xi32, #tpu.memory_space<vmem>>
      %dma_wait3A_184 = arith.constant 0 : i32
      %dma_wait3A_185 = arith.constant 0 : i32
      %dma_wait3A_186 = tpu.memref_slice %arg3[%dma_wait3A_184, %dma_wait3A_185] : memref<100000x64xf32, #tpu.memory_space<hbm>> -> memref<100000x64xf32, #tpu.memory_space<hbm>>
      tpu.wait_indirect_dma semaphore(%arg21 : memref<!tpu.dma_semaphore, #tpu.memory_space<semaphore_mem>>) src(%dma_wait3A_186 : memref<100000x64xf32, #tpu.memory_space<hbm>>) dst(%arg11 : memref<128x64xf32, #tpu.memory_space<vmem>>)
      %dma_start3A_187 = arith.constant 0 : i32
      %dma_start3A_188 = tpu.memref_slice %arg7[%add3A_180, %mul3A_2, %dma_start3A_187] : memref<50x4096x128xf32, #tpu.memory_space<hbm>> -> memref<1x128x64xf32, #tpu.memory_space<hbm>>
      %dma_start3A_189 = tpu.memref_squeeze %dma_start3A_188 : memref<1x128x64xf32, #tpu.memory_space<hbm>> -> memref<128x64xf32, #tpu.memory_space<hbm>>
      %dma_start3A_190 = arith.constant 0 : i32
      %dma_start3A_191 = tpu.memref_slice %arg7[%add3A_180, %mul3A_2, %dma_start3A_190] : memref<50x4096x128xf32, #tpu.memory_space<hbm>> -> memref<1x128x64xf32, #tpu.memory_space<hbm>>
      %dma_start3A_192 = tpu.memref_squeeze %dma_start3A_191 : memref<1x128x64xf32, #tpu.memory_space<hbm>> -> memref<128x64xf32, #tpu.memory_space<hbm>>
      tpu.enqueue_dma source(%arg11 : memref<128x64xf32, #tpu.memory_space<vmem>>) target(%dma_start3A_192 : memref<128x64xf32, #tpu.memory_space<hbm>>) target_semaphore(%arg31 : memref<!tpu.dma_semaphore, #tpu.memory_space<semaphore_mem>>)
      %ge3A_193 = arith.constant 5 : i32
      %ge3A_194 = arith.cmpi sge, %add3A_180, %ge3A_193 : i32
      %convert_element_type3A_195 = arith.extui %ge3A_194 : i1 to i32
      %cond3A_196 = arith.constant 0 : i32
      %cond3A_197 = arith.cmpi ne, %convert_element_type3A_195, %cond3A_196 : i32
      scf.if %cond3A_197 {
        %sub3A = arith.constant 5 : i32
        %sub3A_429 = arith.subi %add3A_180, %sub3A : i32
        %dma_wait3A_430 = arith.constant 0 : i32
        %dma_wait3A_431 = tpu.memref_slice %arg7[%sub3A_429, %mul3A_2, %dma_wait3A_430] : memref<50x4096x128xf32, #tpu.memory_space<hbm>> -> memref<1x128x64xf32, #tpu.memory_space<hbm>>
        %dma_wait3A_432 = tpu.memref_squeeze %dma_wait3A_431 : memref<1x128x64xf32, #tpu.memory_space<hbm>> -> memref<128x64xf32, #tpu.memory_space<hbm>>
        %dma_wait3A_433 = arith.constant 0 : i32
        %dma_wait3A_434 = tpu.memref_slice %arg7[%sub3A_429, %mul3A_2, %dma_wait3A_433] : memref<50x4096x128xf32, #tpu.memory_space<hbm>> -> memref<1x128x64xf32, #tpu.memory_space<hbm>>
        %dma_wait3A_435 = tpu.memref_squeeze %dma_wait3A_434 : memref<1x128x64xf32, #tpu.memory_space<hbm>> -> memref<128x64xf32, #tpu.memory_space<hbm>>
        tpu.wait_dma2 semaphore(%arg36 : memref<!tpu.dma_semaphore, #tpu.memory_space<semaphore_mem>>) src(%arg16 : memref<128x64xf32, #tpu.memory_space<vmem>>) dst(%dma_wait3A_435 : memref<128x64xf32, #tpu.memory_space<hbm>>)
      } else {
      }
      %add3A_198 = arith.constant 5 : i32
      %add3A_199 = arith.addi %add3A_180, %add3A_198 : i32
      %lt3A_200 = arith.constant 50 : i32
      %lt3A_201 = arith.cmpi slt, %add3A_199, %lt3A_200 : i32
      %convert_element_type3A_202 = arith.extui %lt3A_201 : i1 to i32
      %cond3A_203 = arith.constant 0 : i32
      %cond3A_204 = arith.cmpi ne, %convert_element_type3A_202, %cond3A_203 : i32
      scf.if %cond3A_204 {
        %add3A_429 = arith.constant 5 : i32
        %add3A_430 = arith.addi %add3A_180, %add3A_429 : i32
        %dma_start3A_431 = arith.constant 0 : i32
        %dma_start3A_432 = tpu.memref_slice %arg9[%add3A_430, %dma_start3A_431] : memref<50x128xi32, #tpu.memory_space<vmem>> -> memref<1x128xi32, #tpu.memory_space<vmem>>
        %dma_start3A_433 = tpu.memref_squeeze %dma_start3A_432 : memref<1x128xi32, #tpu.memory_space<vmem>> -> memref<128xi32, #tpu.memory_space<vmem>>
        %dma_start3A_434 = arith.constant 0 : i32
        %dma_start3A_435 = arith.constant 0 : i32
        %dma_start3A_436 = tpu.memref_slice %arg3[%dma_start3A_434, %dma_start3A_435] : memref<100000x64xf32, #tpu.memory_space<hbm>> -> memref<100000x64xf32, #tpu.memory_space<hbm>>
        tpu.enqueue_indirect_dma source(%dma_start3A_436 : memref<100000x64xf32, #tpu.memory_space<hbm>>) target(%arg16 : memref<128x64xf32, #tpu.memory_space<vmem>>) offsets(%dma_start3A_433 : memref<128xi32, #tpu.memory_space<vmem>>) semaphore(%arg26 : memref<!tpu.dma_semaphore, #tpu.memory_space<semaphore_mem>>)
      } else {
      }
      %mul3A_205 = arith.constant 10 : i32
      %mul3A_206 = arith.muli %mul3A_205, %scan3A_152 : i32
      %add3A_207 = arith.constant 2 : i32
      %add3A_208 = arith.addi %mul3A_206, %add3A_207 : i32
      %dma_wait3A_209 = arith.constant 0 : i32
      %dma_wait3A_210 = tpu.memref_slice %arg9[%add3A_208, %dma_wait3A_209] : memref<50x128xi32, #tpu.memory_space<vmem>> -> memref<1x128xi32, #tpu.memory_space<vmem>>
      %dma_wait3A_211 = tpu.memref_squeeze %dma_wait3A_210 : memref<1x128xi32, #tpu.memory_space<vmem>> -> memref<128xi32, #tpu.memory_space<vmem>>
      %dma_wait3A_212 = arith.constant 0 : i32
      %dma_wait3A_213 = arith.constant 0 : i32
      %dma_wait3A_214 = tpu.memref_slice %arg3[%dma_wait3A_212, %dma_wait3A_213] : memref<100000x64xf32, #tpu.memory_space<hbm>> -> memref<100000x64xf32, #tpu.memory_space<hbm>>
      tpu.wait_indirect_dma semaphore(%arg22 : memref<!tpu.dma_semaphore, #tpu.memory_space<semaphore_mem>>) src(%dma_wait3A_214 : memref<100000x64xf32, #tpu.memory_space<hbm>>) dst(%arg12 : memref<128x64xf32, #tpu.memory_space<vmem>>)
      %dma_start3A_215 = arith.constant 0 : i32
      %dma_start3A_216 = tpu.memref_slice %arg7[%add3A_208, %mul3A_2, %dma_start3A_215] : memref<50x4096x128xf32, #tpu.memory_space<hbm>> -> memref<1x128x64xf32, #tpu.memory_space<hbm>>
      %dma_start3A_217 = tpu.memref_squeeze %dma_start3A_216 : memref<1x128x64xf32, #tpu.memory_space<hbm>> -> memref<128x64xf32, #tpu.memory_space<hbm>>
      %dma_start3A_218 = arith.constant 0 : i32
      %dma_start3A_219 = tpu.memref_slice %arg7[%add3A_208, %mul3A_2, %dma_start3A_218] : memref<50x4096x128xf32, #tpu.memory_space<hbm>> -> memref<1x128x64xf32, #tpu.memory_space<hbm>>
      %dma_start3A_220 = tpu.memref_squeeze %dma_start3A_219 : memref<1x128x64xf32, #tpu.memory_space<hbm>> -> memref<128x64xf32, #tpu.memory_space<hbm>>
      tpu.enqueue_dma source(%arg12 : memref<128x64xf32, #tpu.memory_space<vmem>>) target(%dma_start3A_220 : memref<128x64xf32, #tpu.memory_space<hbm>>) target_semaphore(%arg32 : memref<!tpu.dma_semaphore, #tpu.memory_space<semaphore_mem>>)
      %ge3A_221 = arith.constant 5 : i32
      %ge3A_222 = arith.cmpi sge, %add3A_208, %ge3A_221 : i32
      %convert_element_type3A_223 = arith.extui %ge3A_222 : i1 to i32
      %cond3A_224 = arith.constant 0 : i32
      %cond3A_225 = arith.cmpi ne, %convert_element_type3A_223, %cond3A_224 : i32
      scf.if %cond3A_225 {
        %sub3A = arith.constant 5 : i32
        %sub3A_429 = arith.subi %add3A_208, %sub3A : i32
        %dma_wait3A_430 = arith.constant 0 : i32
        %dma_wait3A_431 = tpu.memref_slice %arg7[%sub3A_429, %mul3A_2, %dma_wait3A_430] : memref<50x4096x128xf32, #tpu.memory_space<hbm>> -> memref<1x128x64xf32, #tpu.memory_space<hbm>>
        %dma_wait3A_432 = tpu.memref_squeeze %dma_wait3A_431 : memref<1x128x64xf32, #tpu.memory_space<hbm>> -> memref<128x64xf32, #tpu.memory_space<hbm>>
        %dma_wait3A_433 = arith.constant 0 : i32
        %dma_wait3A_434 = tpu.memref_slice %arg7[%sub3A_429, %mul3A_2, %dma_wait3A_433] : memref<50x4096x128xf32, #tpu.memory_space<hbm>> -> memref<1x128x64xf32, #tpu.memory_space<hbm>>
        %dma_wait3A_435 = tpu.memref_squeeze %dma_wait3A_434 : memref<1x128x64xf32, #tpu.memory_space<hbm>> -> memref<128x64xf32, #tpu.memory_space<hbm>>
        tpu.wait_dma2 semaphore(%arg37 : memref<!tpu.dma_semaphore, #tpu.memory_space<semaphore_mem>>) src(%arg17 : memref<128x64xf32, #tpu.memory_space<vmem>>) dst(%dma_wait3A_435 : memref<128x64xf32, #tpu.memory_space<hbm>>)
      } else {
      }
      %add3A_226 = arith.constant 5 : i32
      %add3A_227 = arith.addi %add3A_208, %add3A_226 : i32
      %lt3A_228 = arith.constant 50 : i32
      %lt3A_229 = arith.cmpi slt, %add3A_227, %lt3A_228 : i32
      %convert_element_type3A_230 = arith.extui %lt3A_229 : i1 to i32
      %cond3A_231 = arith.constant 0 : i32
      %cond3A_232 = arith.cmpi ne, %convert_element_type3A_230, %cond3A_231 : i32
      scf.if %cond3A_232 {
        %add3A_429 = arith.constant 5 : i32
        %add3A_430 = arith.addi %add3A_208, %add3A_429 : i32
        %dma_start3A_431 = arith.constant 0 : i32
        %dma_start3A_432 = tpu.memref_slice %arg9[%add3A_430, %dma_start3A_431] : memref<50x128xi32, #tpu.memory_space<vmem>> -> memref<1x128xi32, #tpu.memory_space<vmem>>
        %dma_start3A_433 = tpu.memref_squeeze %dma_start3A_432 : memref<1x128xi32, #tpu.memory_space<vmem>> -> memref<128xi32, #tpu.memory_space<vmem>>
        %dma_start3A_434 = arith.constant 0 : i32
        %dma_start3A_435 = arith.constant 0 : i32
        %dma_start3A_436 = tpu.memref_slice %arg3[%dma_start3A_434, %dma_start3A_435] : memref<100000x64xf32, #tpu.memory_space<hbm>> -> memref<100000x64xf32, #tpu.memory_space<hbm>>
        tpu.enqueue_indirect_dma source(%dma_start3A_436 : memref<100000x64xf32, #tpu.memory_space<hbm>>) target(%arg17 : memref<128x64xf32, #tpu.memory_space<vmem>>) offsets(%dma_start3A_433 : memref<128xi32, #tpu.memory_space<vmem>>) semaphore(%arg27 : memref<!tpu.dma_semaphore, #tpu.memory_space<semaphore_mem>>)
      } else {
      }
      %mul3A_233 = arith.constant 10 : i32
      %mul3A_234 = arith.muli %mul3A_233, %scan3A_152 : i32
      %add3A_235 = arith.constant 3 : i32
      %add3A_236 = arith.addi %mul3A_234, %add3A_235 : i32
      %dma_wait3A_237 = arith.constant 0 : i32
      %dma_wait3A_238 = tpu.memref_slice %arg9[%add3A_236, %dma_wait3A_237] : memref<50x128xi32, #tpu.memory_space<vmem>> -> memref<1x128xi32, #tpu.memory_space<vmem>>
      %dma_wait3A_239 = tpu.memref_squeeze %dma_wait3A_238 : memref<1x128xi32, #tpu.memory_space<vmem>> -> memref<128xi32, #tpu.memory_space<vmem>>
      %dma_wait3A_240 = arith.constant 0 : i32
      %dma_wait3A_241 = arith.constant 0 : i32
      %dma_wait3A_242 = tpu.memref_slice %arg3[%dma_wait3A_240, %dma_wait3A_241] : memref<100000x64xf32, #tpu.memory_space<hbm>> -> memref<100000x64xf32, #tpu.memory_space<hbm>>
      tpu.wait_indirect_dma semaphore(%arg23 : memref<!tpu.dma_semaphore, #tpu.memory_space<semaphore_mem>>) src(%dma_wait3A_242 : memref<100000x64xf32, #tpu.memory_space<hbm>>) dst(%arg13 : memref<128x64xf32, #tpu.memory_space<vmem>>)
      %dma_start3A_243 = arith.constant 0 : i32
      %dma_start3A_244 = tpu.memref_slice %arg7[%add3A_236, %mul3A_2, %dma_start3A_243] : memref<50x4096x128xf32, #tpu.memory_space<hbm>> -> memref<1x128x64xf32, #tpu.memory_space<hbm>>
      %dma_start3A_245 = tpu.memref_squeeze %dma_start3A_244 : memref<1x128x64xf32, #tpu.memory_space<hbm>> -> memref<128x64xf32, #tpu.memory_space<hbm>>
      %dma_start3A_246 = arith.constant 0 : i32
      %dma_start3A_247 = tpu.memref_slice %arg7[%add3A_236, %mul3A_2, %dma_start3A_246] : memref<50x4096x128xf32, #tpu.memory_space<hbm>> -> memref<1x128x64xf32, #tpu.memory_space<hbm>>
      %dma_start3A_248 = tpu.memref_squeeze %dma_start3A_247 : memref<1x128x64xf32, #tpu.memory_space<hbm>> -> memref<128x64xf32, #tpu.memory_space<hbm>>
      tpu.enqueue_dma source(%arg13 : memref<128x64xf32, #tpu.memory_space<vmem>>) target(%dma_start3A_248 : memref<128x64xf32, #tpu.memory_space<hbm>>) target_semaphore(%arg33 : memref<!tpu.dma_semaphore, #tpu.memory_space<semaphore_mem>>)
      %ge3A_249 = arith.constant 5 : i32
      %ge3A_250 = arith.cmpi sge, %add3A_236, %ge3A_249 : i32
      %convert_element_type3A_251 = arith.extui %ge3A_250 : i1 to i32
      %cond3A_252 = arith.constant 0 : i32
      %cond3A_253 = arith.cmpi ne, %convert_element_type3A_251, %cond3A_252 : i32
      scf.if %cond3A_253 {
        %sub3A = arith.constant 5 : i32
        %sub3A_429 = arith.subi %add3A_236, %sub3A : i32
        %dma_wait3A_430 = arith.constant 0 : i32
        %dma_wait3A_431 = tpu.memref_slice %arg7[%sub3A_429, %mul3A_2, %dma_wait3A_430] : memref<50x4096x128xf32, #tpu.memory_space<hbm>> -> memref<1x128x64xf32, #tpu.memory_space<hbm>>
        %dma_wait3A_432 = tpu.memref_squeeze %dma_wait3A_431 : memref<1x128x64xf32, #tpu.memory_space<hbm>> -> memref<128x64xf32, #tpu.memory_space<hbm>>
        %dma_wait3A_433 = arith.constant 0 : i32
        %dma_wait3A_434 = tpu.memref_slice %arg7[%sub3A_429, %mul3A_2, %dma_wait3A_433] : memref<50x4096x128xf32, #tpu.memory_space<hbm>> -> memref<1x128x64xf32, #tpu.memory_space<hbm>>
        %dma_wait3A_435 = tpu.memref_squeeze %dma_wait3A_434 : memref<1x128x64xf32, #tpu.memory_space<hbm>> -> memref<128x64xf32, #tpu.memory_space<hbm>>
        tpu.wait_dma2 semaphore(%arg38 : memref<!tpu.dma_semaphore, #tpu.memory_space<semaphore_mem>>) src(%arg18 : memref<128x64xf32, #tpu.memory_space<vmem>>) dst(%dma_wait3A_435 : memref<128x64xf32, #tpu.memory_space<hbm>>)
      } else {
      }
      %add3A_254 = arith.constant 5 : i32
      %add3A_255 = arith.addi %add3A_236, %add3A_254 : i32
      %lt3A_256 = arith.constant 50 : i32
      %lt3A_257 = arith.cmpi slt, %add3A_255, %lt3A_256 : i32
      %convert_element_type3A_258 = arith.extui %lt3A_257 : i1 to i32
      %cond3A_259 = arith.constant 0 : i32
      %cond3A_260 = arith.cmpi ne, %convert_element_type3A_258, %cond3A_259 : i32
      scf.if %cond3A_260 {
        %add3A_429 = arith.constant 5 : i32
        %add3A_430 = arith.addi %add3A_236, %add3A_429 : i32
        %dma_start3A_431 = arith.constant 0 : i32
        %dma_start3A_432 = tpu.memref_slice %arg9[%add3A_430, %dma_start3A_431] : memref<50x128xi32, #tpu.memory_space<vmem>> -> memref<1x128xi32, #tpu.memory_space<vmem>>
        %dma_start3A_433 = tpu.memref_squeeze %dma_start3A_432 : memref<1x128xi32, #tpu.memory_space<vmem>> -> memref<128xi32, #tpu.memory_space<vmem>>
        %dma_start3A_434 = arith.constant 0 : i32
        %dma_start3A_435 = arith.constant 0 : i32
        %dma_start3A_436 = tpu.memref_slice %arg3[%dma_start3A_434, %dma_start3A_435] : memref<100000x64xf32, #tpu.memory_space<hbm>> -> memref<100000x64xf32, #tpu.memory_space<hbm>>
        tpu.enqueue_indirect_dma source(%dma_start3A_436 : memref<100000x64xf32, #tpu.memory_space<hbm>>) target(%arg18 : memref<128x64xf32, #tpu.memory_space<vmem>>) offsets(%dma_start3A_433 : memref<128xi32, #tpu.memory_space<vmem>>) semaphore(%arg28 : memref<!tpu.dma_semaphore, #tpu.memory_space<semaphore_mem>>)
      } else {
      }
      %mul3A_261 = arith.constant 10 : i32
      %mul3A_262 = arith.muli %mul3A_261, %scan3A_152 : i32
      %add3A_263 = arith.constant 4 : i32
      %add3A_264 = arith.addi %mul3A_262, %add3A_263 : i32
      %dma_wait3A_265 = arith.constant 0 : i32
      %dma_wait3A_266 = tpu.memref_slice %arg9[%add3A_264, %dma_wait3A_265] : memref<50x128xi32, #tpu.memory_space<vmem>> -> memref<1x128xi32, #tpu.memory_space<vmem>>
      %dma_wait3A_267 = tpu.memref_squeeze %dma_wait3A_266 : memref<1x128xi32, #tpu.memory_space<vmem>> -> memref<128xi32, #tpu.memory_space<vmem>>
      %dma_wait3A_268 = arith.constant 0 : i32
      %dma_wait3A_269 = arith.constant 0 : i32
      %dma_wait3A_270 = tpu.memref_slice %arg3[%dma_wait3A_268, %dma_wait3A_269] : memref<100000x64xf32, #tpu.memory_space<hbm>> -> memref<100000x64xf32, #tpu.memory_space<hbm>>
      tpu.wait_indirect_dma semaphore(%arg24 : memref<!tpu.dma_semaphore, #tpu.memory_space<semaphore_mem>>) src(%dma_wait3A_270 : memref<100000x64xf32, #tpu.memory_space<hbm>>) dst(%arg14 : memref<128x64xf32, #tpu.memory_space<vmem>>)
      %dma_start3A_271 = arith.constant 0 : i32
      %dma_start3A_272 = tpu.memref_slice %arg7[%add3A_264, %mul3A_2, %dma_start3A_271] : memref<50x4096x128xf32, #tpu.memory_space<hbm>> -> memref<1x128x64xf32, #tpu.memory_space<hbm>>
      %dma_start3A_273 = tpu.memref_squeeze %dma_start3A_272 : memref<1x128x64xf32, #tpu.memory_space<hbm>> -> memref<128x64xf32, #tpu.memory_space<hbm>>
      %dma_start3A_274 = arith.constant 0 : i32
      %dma_start3A_275 = tpu.memref_slice %arg7[%add3A_264, %mul3A_2, %dma_start3A_274] : memref<50x4096x128xf32, #tpu.memory_space<hbm>> -> memref<1x128x64xf32, #tpu.memory_space<hbm>>
      %dma_start3A_276 = tpu.memref_squeeze %dma_start3A_275 : memref<1x128x64xf32, #tpu.memory_space<hbm>> -> memref<128x64xf32, #tpu.memory_space<hbm>>
      tpu.enqueue_dma source(%arg14 : memref<128x64xf32, #tpu.memory_space<vmem>>) target(%dma_start3A_276 : memref<128x64xf32, #tpu.memory_space<hbm>>) target_semaphore(%arg34 : memref<!tpu.dma_semaphore, #tpu.memory_space<semaphore_mem>>)
      %ge3A_277 = arith.constant 5 : i32
      %ge3A_278 = arith.cmpi sge, %add3A_264, %ge3A_277 : i32
      %convert_element_type3A_279 = arith.extui %ge3A_278 : i1 to i32
      %cond3A_280 = arith.constant 0 : i32
      %cond3A_281 = arith.cmpi ne, %convert_element_type3A_279, %cond3A_280 : i32
      scf.if %cond3A_281 {
        %sub3A = arith.constant 5 : i32
        %sub3A_429 = arith.subi %add3A_264, %sub3A : i32
        %dma_wait3A_430 = arith.constant 0 : i32
        %dma_wait3A_431 = tpu.memref_slice %arg7[%sub3A_429, %mul3A_2, %dma_wait3A_430] : memref<50x4096x128xf32, #tpu.memory_space<hbm>> -> memref<1x128x64xf32, #tpu.memory_space<hbm>>
        %dma_wait3A_432 = tpu.memref_squeeze %dma_wait3A_431 : memref<1x128x64xf32, #tpu.memory_space<hbm>> -> memref<128x64xf32, #tpu.memory_space<hbm>>
        %dma_wait3A_433 = arith.constant 0 : i32
        %dma_wait3A_434 = tpu.memref_slice %arg7[%sub3A_429, %mul3A_2, %dma_wait3A_433] : memref<50x4096x128xf32, #tpu.memory_space<hbm>> -> memref<1x128x64xf32, #tpu.memory_space<hbm>>
        %dma_wait3A_435 = tpu.memref_squeeze %dma_wait3A_434 : memref<1x128x64xf32, #tpu.memory_space<hbm>> -> memref<128x64xf32, #tpu.memory_space<hbm>>
        tpu.wait_dma2 semaphore(%arg39 : memref<!tpu.dma_semaphore, #tpu.memory_space<semaphore_mem>>) src(%arg19 : memref<128x64xf32, #tpu.memory_space<vmem>>) dst(%dma_wait3A_435 : memref<128x64xf32, #tpu.memory_space<hbm>>)
      } else {
      }
      %add3A_282 = arith.constant 5 : i32
      %add3A_283 = arith.addi %add3A_264, %add3A_282 : i32
      %lt3A_284 = arith.constant 50 : i32
      %lt3A_285 = arith.cmpi slt, %add3A_283, %lt3A_284 : i32
      %convert_element_type3A_286 = arith.extui %lt3A_285 : i1 to i32
      %cond3A_287 = arith.constant 0 : i32
      %cond3A_288 = arith.cmpi ne, %convert_element_type3A_286, %cond3A_287 : i32
      scf.if %cond3A_288 {
        %add3A_429 = arith.constant 5 : i32
        %add3A_430 = arith.addi %add3A_264, %add3A_429 : i32
        %dma_start3A_431 = arith.constant 0 : i32
        %dma_start3A_432 = tpu.memref_slice %arg9[%add3A_430, %dma_start3A_431] : memref<50x128xi32, #tpu.memory_space<vmem>> -> memref<1x128xi32, #tpu.memory_space<vmem>>
        %dma_start3A_433 = tpu.memref_squeeze %dma_start3A_432 : memref<1x128xi32, #tpu.memory_space<vmem>> -> memref<128xi32, #tpu.memory_space<vmem>>
        %dma_start3A_434 = arith.constant 0 : i32
        %dma_start3A_435 = arith.constant 0 : i32
        %dma_start3A_436 = tpu.memref_slice %arg3[%dma_start3A_434, %dma_start3A_435] : memref<100000x64xf32, #tpu.memory_space<hbm>> -> memref<100000x64xf32, #tpu.memory_space<hbm>>
        tpu.enqueue_indirect_dma source(%dma_start3A_436 : memref<100000x64xf32, #tpu.memory_space<hbm>>) target(%arg19 : memref<128x64xf32, #tpu.memory_space<vmem>>) offsets(%dma_start3A_433 : memref<128xi32, #tpu.memory_space<vmem>>) semaphore(%arg29 : memref<!tpu.dma_semaphore, #tpu.memory_space<semaphore_mem>>)
      } else {
      }
      %mul3A_289 = arith.constant 10 : i32
      %mul3A_290 = arith.muli %mul3A_289, %scan3A_152 : i32
      %add3A_291 = arith.constant 5 : i32
      %add3A_292 = arith.addi %mul3A_290, %add3A_291 : i32
      %dma_wait3A_293 = arith.constant 0 : i32
      %dma_wait3A_294 = tpu.memref_slice %arg9[%add3A_292, %dma_wait3A_293] : memref<50x128xi32, #tpu.memory_space<vmem>> -> memref<1x128xi32, #tpu.memory_space<vmem>>
      %dma_wait3A_295 = tpu.memref_squeeze %dma_wait3A_294 : memref<1x128xi32, #tpu.memory_space<vmem>> -> memref<128xi32, #tpu.memory_space<vmem>>
      %dma_wait3A_296 = arith.constant 0 : i32
      %dma_wait3A_297 = arith.constant 0 : i32
      %dma_wait3A_298 = tpu.memref_slice %arg3[%dma_wait3A_296, %dma_wait3A_297] : memref<100000x64xf32, #tpu.memory_space<hbm>> -> memref<100000x64xf32, #tpu.memory_space<hbm>>
      tpu.wait_indirect_dma semaphore(%arg25 : memref<!tpu.dma_semaphore, #tpu.memory_space<semaphore_mem>>) src(%dma_wait3A_298 : memref<100000x64xf32, #tpu.memory_space<hbm>>) dst(%arg15 : memref<128x64xf32, #tpu.memory_space<vmem>>)
      %dma_start3A_299 = arith.constant 0 : i32
      %dma_start3A_300 = tpu.memref_slice %arg7[%add3A_292, %mul3A_2, %dma_start3A_299] : memref<50x4096x128xf32, #tpu.memory_space<hbm>> -> memref<1x128x64xf32, #tpu.memory_space<hbm>>
      %dma_start3A_301 = tpu.memref_squeeze %dma_start3A_300 : memref<1x128x64xf32, #tpu.memory_space<hbm>> -> memref<128x64xf32, #tpu.memory_space<hbm>>
      %dma_start3A_302 = arith.constant 0 : i32
      %dma_start3A_303 = tpu.memref_slice %arg7[%add3A_292, %mul3A_2, %dma_start3A_302] : memref<50x4096x128xf32, #tpu.memory_space<hbm>> -> memref<1x128x64xf32, #tpu.memory_space<hbm>>
      %dma_start3A_304 = tpu.memref_squeeze %dma_start3A_303 : memref<1x128x64xf32, #tpu.memory_space<hbm>> -> memref<128x64xf32, #tpu.memory_space<hbm>>
      tpu.enqueue_dma source(%arg15 : memref<128x64xf32, #tpu.memory_space<vmem>>) target(%dma_start3A_304 : memref<128x64xf32, #tpu.memory_space<hbm>>) target_semaphore(%arg35 : memref<!tpu.dma_semaphore, #tpu.memory_space<semaphore_mem>>)
      %ge3A_305 = arith.constant 5 : i32
      %ge3A_306 = arith.cmpi sge, %add3A_292, %ge3A_305 : i32
      %convert_element_type3A_307 = arith.extui %ge3A_306 : i1 to i32
      %cond3A_308 = arith.constant 0 : i32
      %cond3A_309 = arith.cmpi ne, %convert_element_type3A_307, %cond3A_308 : i32
      scf.if %cond3A_309 {
        %sub3A = arith.constant 5 : i32
        %sub3A_429 = arith.subi %add3A_292, %sub3A : i32
        %dma_wait3A_430 = arith.constant 0 : i32
        %dma_wait3A_431 = tpu.memref_slice %arg7[%sub3A_429, %mul3A_2, %dma_wait3A_430] : memref<50x4096x128xf32, #tpu.memory_space<hbm>> -> memref<1x128x64xf32, #tpu.memory_space<hbm>>
        %dma_wait3A_432 = tpu.memref_squeeze %dma_wait3A_431 : memref<1x128x64xf32, #tpu.memory_space<hbm>> -> memref<128x64xf32, #tpu.memory_space<hbm>>
        %dma_wait3A_433 = arith.constant 0 : i32
        %dma_wait3A_434 = tpu.memref_slice %arg7[%sub3A_429, %mul3A_2, %dma_wait3A_433] : memref<50x4096x128xf32, #tpu.memory_space<hbm>> -> memref<1x128x64xf32, #tpu.memory_space<hbm>>
        %dma_wait3A_435 = tpu.memref_squeeze %dma_wait3A_434 : memref<1x128x64xf32, #tpu.memory_space<hbm>> -> memref<128x64xf32, #tpu.memory_space<hbm>>
        tpu.wait_dma2 semaphore(%arg30 : memref<!tpu.dma_semaphore, #tpu.memory_space<semaphore_mem>>) src(%arg10 : memref<128x64xf32, #tpu.memory_space<vmem>>) dst(%dma_wait3A_435 : memref<128x64xf32, #tpu.memory_space<hbm>>)
      } else {
      }
      %add3A_310 = arith.constant 5 : i32
      %add3A_311 = arith.addi %add3A_292, %add3A_310 : i32
      %lt3A_312 = arith.constant 50 : i32
      %lt3A_313 = arith.cmpi slt, %add3A_311, %lt3A_312 : i32
      %convert_element_type3A_314 = arith.extui %lt3A_313 : i1 to i32
      %cond3A_315 = arith.constant 0 : i32
      %cond3A_316 = arith.cmpi ne, %convert_element_type3A_314, %cond3A_315 : i32
      scf.if %cond3A_316 {
        %add3A_429 = arith.constant 5 : i32
        %add3A_430 = arith.addi %add3A_292, %add3A_429 : i32
        %dma_start3A_431 = arith.constant 0 : i32
        %dma_start3A_432 = tpu.memref_slice %arg9[%add3A_430, %dma_start3A_431] : memref<50x128xi32, #tpu.memory_space<vmem>> -> memref<1x128xi32, #tpu.memory_space<vmem>>
        %dma_start3A_433 = tpu.memref_squeeze %dma_start3A_432 : memref<1x128xi32, #tpu.memory_space<vmem>> -> memref<128xi32, #tpu.memory_space<vmem>>
        %dma_start3A_434 = arith.constant 0 : i32
        %dma_start3A_435 = arith.constant 0 : i32
        %dma_start3A_436 = tpu.memref_slice %arg3[%dma_start3A_434, %dma_start3A_435] : memref<100000x64xf32, #tpu.memory_space<hbm>> -> memref<100000x64xf32, #tpu.memory_space<hbm>>
        tpu.enqueue_indirect_dma source(%dma_start3A_436 : memref<100000x64xf32, #tpu.memory_space<hbm>>) target(%arg10 : memref<128x64xf32, #tpu.memory_space<vmem>>) offsets(%dma_start3A_433 : memref<128xi32, #tpu.memory_space<vmem>>) semaphore(%arg20 : memref<!tpu.dma_semaphore, #tpu.memory_space<semaphore_mem>>)
      } else {
      }
      %mul3A_317 = arith.constant 10 : i32
      %mul3A_318 = arith.muli %mul3A_317, %scan3A_152 : i32
      %add3A_319 = arith.constant 6 : i32
      %add3A_320 = arith.addi %mul3A_318, %add3A_319 : i32
      %dma_wait3A_321 = arith.constant 0 : i32
      %dma_wait3A_322 = tpu.memref_slice %arg9[%add3A_320, %dma_wait3A_321] : memref<50x128xi32, #tpu.memory_space<vmem>> -> memref<1x128xi32, #tpu.memory_space<vmem>>
      %dma_wait3A_323 = tpu.memref_squeeze %dma_wait3A_322 : memref<1x128xi32, #tpu.memory_space<vmem>> -> memref<128xi32, #tpu.memory_space<vmem>>
      %dma_wait3A_324 = arith.constant 0 : i32
      %dma_wait3A_325 = arith.constant 0 : i32
      %dma_wait3A_326 = tpu.memref_slice %arg3[%dma_wait3A_324, %dma_wait3A_325] : memref<100000x64xf32, #tpu.memory_space<hbm>> -> memref<100000x64xf32, #tpu.memory_space<hbm>>
      tpu.wait_indirect_dma semaphore(%arg26 : memref<!tpu.dma_semaphore, #tpu.memory_space<semaphore_mem>>) src(%dma_wait3A_326 : memref<100000x64xf32, #tpu.memory_space<hbm>>) dst(%arg16 : memref<128x64xf32, #tpu.memory_space<vmem>>)
      %dma_start3A_327 = arith.constant 0 : i32
      %dma_start3A_328 = tpu.memref_slice %arg7[%add3A_320, %mul3A_2, %dma_start3A_327] : memref<50x4096x128xf32, #tpu.memory_space<hbm>> -> memref<1x128x64xf32, #tpu.memory_space<hbm>>
      %dma_start3A_329 = tpu.memref_squeeze %dma_start3A_328 : memref<1x128x64xf32, #tpu.memory_space<hbm>> -> memref<128x64xf32, #tpu.memory_space<hbm>>
      %dma_start3A_330 = arith.constant 0 : i32
      %dma_start3A_331 = tpu.memref_slice %arg7[%add3A_320, %mul3A_2, %dma_start3A_330] : memref<50x4096x128xf32, #tpu.memory_space<hbm>> -> memref<1x128x64xf32, #tpu.memory_space<hbm>>
      %dma_start3A_332 = tpu.memref_squeeze %dma_start3A_331 : memref<1x128x64xf32, #tpu.memory_space<hbm>> -> memref<128x64xf32, #tpu.memory_space<hbm>>
      tpu.enqueue_dma source(%arg16 : memref<128x64xf32, #tpu.memory_space<vmem>>) target(%dma_start3A_332 : memref<128x64xf32, #tpu.memory_space<hbm>>) target_semaphore(%arg36 : memref<!tpu.dma_semaphore, #tpu.memory_space<semaphore_mem>>)
      %ge3A_333 = arith.constant 5 : i32
      %ge3A_334 = arith.cmpi sge, %add3A_320, %ge3A_333 : i32
      %convert_element_type3A_335 = arith.extui %ge3A_334 : i1 to i32
      %cond3A_336 = arith.constant 0 : i32
      %cond3A_337 = arith.cmpi ne, %convert_element_type3A_335, %cond3A_336 : i32
      scf.if %cond3A_337 {
        %sub3A = arith.constant 5 : i32
        %sub3A_429 = arith.subi %add3A_320, %sub3A : i32
        %dma_wait3A_430 = arith.constant 0 : i32
        %dma_wait3A_431 = tpu.memref_slice %arg7[%sub3A_429, %mul3A_2, %dma_wait3A_430] : memref<50x4096x128xf32, #tpu.memory_space<hbm>> -> memref<1x128x64xf32, #tpu.memory_space<hbm>>
        %dma_wait3A_432 = tpu.memref_squeeze %dma_wait3A_431 : memref<1x128x64xf32, #tpu.memory_space<hbm>> -> memref<128x64xf32, #tpu.memory_space<hbm>>
        %dma_wait3A_433 = arith.constant 0 : i32
        %dma_wait3A_434 = tpu.memref_slice %arg7[%sub3A_429, %mul3A_2, %dma_wait3A_433] : memref<50x4096x128xf32, #tpu.memory_space<hbm>> -> memref<1x128x64xf32, #tpu.memory_space<hbm>>
        %dma_wait3A_435 = tpu.memref_squeeze %dma_wait3A_434 : memref<1x128x64xf32, #tpu.memory_space<hbm>> -> memref<128x64xf32, #tpu.memory_space<hbm>>
        tpu.wait_dma2 semaphore(%arg31 : memref<!tpu.dma_semaphore, #tpu.memory_space<semaphore_mem>>) src(%arg11 : memref<128x64xf32, #tpu.memory_space<vmem>>) dst(%dma_wait3A_435 : memref<128x64xf32, #tpu.memory_space<hbm>>)
      } else {
      }
      %add3A_338 = arith.constant 5 : i32
      %add3A_339 = arith.addi %add3A_320, %add3A_338 : i32
      %lt3A_340 = arith.constant 50 : i32
      %lt3A_341 = arith.cmpi slt, %add3A_339, %lt3A_340 : i32
      %convert_element_type3A_342 = arith.extui %lt3A_341 : i1 to i32
      %cond3A_343 = arith.constant 0 : i32
      %cond3A_344 = arith.cmpi ne, %convert_element_type3A_342, %cond3A_343 : i32
      scf.if %cond3A_344 {
        %add3A_429 = arith.constant 5 : i32
        %add3A_430 = arith.addi %add3A_320, %add3A_429 : i32
        %dma_start3A_431 = arith.constant 0 : i32
        %dma_start3A_432 = tpu.memref_slice %arg9[%add3A_430, %dma_start3A_431] : memref<50x128xi32, #tpu.memory_space<vmem>> -> memref<1x128xi32, #tpu.memory_space<vmem>>
        %dma_start3A_433 = tpu.memref_squeeze %dma_start3A_432 : memref<1x128xi32, #tpu.memory_space<vmem>> -> memref<128xi32, #tpu.memory_space<vmem>>
        %dma_start3A_434 = arith.constant 0 : i32
        %dma_start3A_435 = arith.constant 0 : i32
        %dma_start3A_436 = tpu.memref_slice %arg3[%dma_start3A_434, %dma_start3A_435] : memref<100000x64xf32, #tpu.memory_space<hbm>> -> memref<100000x64xf32, #tpu.memory_space<hbm>>
        tpu.enqueue_indirect_dma source(%dma_start3A_436 : memref<100000x64xf32, #tpu.memory_space<hbm>>) target(%arg11 : memref<128x64xf32, #tpu.memory_space<vmem>>) offsets(%dma_start3A_433 : memref<128xi32, #tpu.memory_space<vmem>>) semaphore(%arg21 : memref<!tpu.dma_semaphore, #tpu.memory_space<semaphore_mem>>)
      } else {
      }
      %mul3A_345 = arith.constant 10 : i32
      %mul3A_346 = arith.muli %mul3A_345, %scan3A_152 : i32
      %add3A_347 = arith.constant 7 : i32
      %add3A_348 = arith.addi %mul3A_346, %add3A_347 : i32
      %dma_wait3A_349 = arith.constant 0 : i32
      %dma_wait3A_350 = tpu.memref_slice %arg9[%add3A_348, %dma_wait3A_349] : memref<50x128xi32, #tpu.memory_space<vmem>> -> memref<1x128xi32, #tpu.memory_space<vmem>>
      %dma_wait3A_351 = tpu.memref_squeeze %dma_wait3A_350 : memref<1x128xi32, #tpu.memory_space<vmem>> -> memref<128xi32, #tpu.memory_space<vmem>>
      %dma_wait3A_352 = arith.constant 0 : i32
      %dma_wait3A_353 = arith.constant 0 : i32
      %dma_wait3A_354 = tpu.memref_slice %arg3[%dma_wait3A_352, %dma_wait3A_353] : memref<100000x64xf32, #tpu.memory_space<hbm>> -> memref<100000x64xf32, #tpu.memory_space<hbm>>
      tpu.wait_indirect_dma semaphore(%arg27 : memref<!tpu.dma_semaphore, #tpu.memory_space<semaphore_mem>>) src(%dma_wait3A_354 : memref<100000x64xf32, #tpu.memory_space<hbm>>) dst(%arg17 : memref<128x64xf32, #tpu.memory_space<vmem>>)
      %dma_start3A_355 = arith.constant 0 : i32
      %dma_start3A_356 = tpu.memref_slice %arg7[%add3A_348, %mul3A_2, %dma_start3A_355] : memref<50x4096x128xf32, #tpu.memory_space<hbm>> -> memref<1x128x64xf32, #tpu.memory_space<hbm>>
      %dma_start3A_357 = tpu.memref_squeeze %dma_start3A_356 : memref<1x128x64xf32, #tpu.memory_space<hbm>> -> memref<128x64xf32, #tpu.memory_space<hbm>>
      %dma_start3A_358 = arith.constant 0 : i32
      %dma_start3A_359 = tpu.memref_slice %arg7[%add3A_348, %mul3A_2, %dma_start3A_358] : memref<50x4096x128xf32, #tpu.memory_space<hbm>> -> memref<1x128x64xf32, #tpu.memory_space<hbm>>
      %dma_start3A_360 = tpu.memref_squeeze %dma_start3A_359 : memref<1x128x64xf32, #tpu.memory_space<hbm>> -> memref<128x64xf32, #tpu.memory_space<hbm>>
      tpu.enqueue_dma source(%arg17 : memref<128x64xf32, #tpu.memory_space<vmem>>) target(%dma_start3A_360 : memref<128x64xf32, #tpu.memory_space<hbm>>) target_semaphore(%arg37 : memref<!tpu.dma_semaphore, #tpu.memory_space<semaphore_mem>>)
      %ge3A_361 = arith.constant 5 : i32
      %ge3A_362 = arith.cmpi sge, %add3A_348, %ge3A_361 : i32
      %convert_element_type3A_363 = arith.extui %ge3A_362 : i1 to i32
      %cond3A_364 = arith.constant 0 : i32
      %cond3A_365 = arith.cmpi ne, %convert_element_type3A_363, %cond3A_364 : i32
      scf.if %cond3A_365 {
        %sub3A = arith.constant 5 : i32
        %sub3A_429 = arith.subi %add3A_348, %sub3A : i32
        %dma_wait3A_430 = arith.constant 0 : i32
        %dma_wait3A_431 = tpu.memref_slice %arg7[%sub3A_429, %mul3A_2, %dma_wait3A_430] : memref<50x4096x128xf32, #tpu.memory_space<hbm>> -> memref<1x128x64xf32, #tpu.memory_space<hbm>>
        %dma_wait3A_432 = tpu.memref_squeeze %dma_wait3A_431 : memref<1x128x64xf32, #tpu.memory_space<hbm>> -> memref<128x64xf32, #tpu.memory_space<hbm>>
        %dma_wait3A_433 = arith.constant 0 : i32
        %dma_wait3A_434 = tpu.memref_slice %arg7[%sub3A_429, %mul3A_2, %dma_wait3A_433] : memref<50x4096x128xf32, #tpu.memory_space<hbm>> -> memref<1x128x64xf32, #tpu.memory_space<hbm>>
        %dma_wait3A_435 = tpu.memref_squeeze %dma_wait3A_434 : memref<1x128x64xf32, #tpu.memory_space<hbm>> -> memref<128x64xf32, #tpu.memory_space<hbm>>
        tpu.wait_dma2 semaphore(%arg32 : memref<!tpu.dma_semaphore, #tpu.memory_space<semaphore_mem>>) src(%arg12 : memref<128x64xf32, #tpu.memory_space<vmem>>) dst(%dma_wait3A_435 : memref<128x64xf32, #tpu.memory_space<hbm>>)
      } else {
      }
      %add3A_366 = arith.constant 5 : i32
      %add3A_367 = arith.addi %add3A_348, %add3A_366 : i32
      %lt3A_368 = arith.constant 50 : i32
      %lt3A_369 = arith.cmpi slt, %add3A_367, %lt3A_368 : i32
      %convert_element_type3A_370 = arith.extui %lt3A_369 : i1 to i32
      %cond3A_371 = arith.constant 0 : i32
      %cond3A_372 = arith.cmpi ne, %convert_element_type3A_370, %cond3A_371 : i32
      scf.if %cond3A_372 {
        %add3A_429 = arith.constant 5 : i32
        %add3A_430 = arith.addi %add3A_348, %add3A_429 : i32
        %dma_start3A_431 = arith.constant 0 : i32
        %dma_start3A_432 = tpu.memref_slice %arg9[%add3A_430, %dma_start3A_431] : memref<50x128xi32, #tpu.memory_space<vmem>> -> memref<1x128xi32, #tpu.memory_space<vmem>>
        %dma_start3A_433 = tpu.memref_squeeze %dma_start3A_432 : memref<1x128xi32, #tpu.memory_space<vmem>> -> memref<128xi32, #tpu.memory_space<vmem>>
        %dma_start3A_434 = arith.constant 0 : i32
        %dma_start3A_435 = arith.constant 0 : i32
        %dma_start3A_436 = tpu.memref_slice %arg3[%dma_start3A_434, %dma_start3A_435] : memref<100000x64xf32, #tpu.memory_space<hbm>> -> memref<100000x64xf32, #tpu.memory_space<hbm>>
        tpu.enqueue_indirect_dma source(%dma_start3A_436 : memref<100000x64xf32, #tpu.memory_space<hbm>>) target(%arg12 : memref<128x64xf32, #tpu.memory_space<vmem>>) offsets(%dma_start3A_433 : memref<128xi32, #tpu.memory_space<vmem>>) semaphore(%arg22 : memref<!tpu.dma_semaphore, #tpu.memory_space<semaphore_mem>>)
      } else {
      }
      %mul3A_373 = arith.constant 10 : i32
      %mul3A_374 = arith.muli %mul3A_373, %scan3A_152 : i32
      %add3A_375 = arith.constant 8 : i32
      %add3A_376 = arith.addi %mul3A_374, %add3A_375 : i32
      %dma_wait3A_377 = arith.constant 0 : i32
      %dma_wait3A_378 = tpu.memref_slice %arg9[%add3A_376, %dma_wait3A_377] : memref<50x128xi32, #tpu.memory_space<vmem>> -> memref<1x128xi32, #tpu.memory_space<vmem>>
      %dma_wait3A_379 = tpu.memref_squeeze %dma_wait3A_378 : memref<1x128xi32, #tpu.memory_space<vmem>> -> memref<128xi32, #tpu.memory_space<vmem>>
      %dma_wait3A_380 = arith.constant 0 : i32
      %dma_wait3A_381 = arith.constant 0 : i32
      %dma_wait3A_382 = tpu.memref_slice %arg3[%dma_wait3A_380, %dma_wait3A_381] : memref<100000x64xf32, #tpu.memory_space<hbm>> -> memref<100000x64xf32, #tpu.memory_space<hbm>>
      tpu.wait_indirect_dma semaphore(%arg28 : memref<!tpu.dma_semaphore, #tpu.memory_space<semaphore_mem>>) src(%dma_wait3A_382 : memref<100000x64xf32, #tpu.memory_space<hbm>>) dst(%arg18 : memref<128x64xf32, #tpu.memory_space<vmem>>)
      %dma_start3A_383 = arith.constant 0 : i32
      %dma_start3A_384 = tpu.memref_slice %arg7[%add3A_376, %mul3A_2, %dma_start3A_383] : memref<50x4096x128xf32, #tpu.memory_space<hbm>> -> memref<1x128x64xf32, #tpu.memory_space<hbm>>
      %dma_start3A_385 = tpu.memref_squeeze %dma_start3A_384 : memref<1x128x64xf32, #tpu.memory_space<hbm>> -> memref<128x64xf32, #tpu.memory_space<hbm>>
      %dma_start3A_386 = arith.constant 0 : i32
      %dma_start3A_387 = tpu.memref_slice %arg7[%add3A_376, %mul3A_2, %dma_start3A_386] : memref<50x4096x128xf32, #tpu.memory_space<hbm>> -> memref<1x128x64xf32, #tpu.memory_space<hbm>>
      %dma_start3A_388 = tpu.memref_squeeze %dma_start3A_387 : memref<1x128x64xf32, #tpu.memory_space<hbm>> -> memref<128x64xf32, #tpu.memory_space<hbm>>
      tpu.enqueue_dma source(%arg18 : memref<128x64xf32, #tpu.memory_space<vmem>>) target(%dma_start3A_388 : memref<128x64xf32, #tpu.memory_space<hbm>>) target_semaphore(%arg38 : memref<!tpu.dma_semaphore, #tpu.memory_space<semaphore_mem>>)
      %ge3A_389 = arith.constant 5 : i32
      %ge3A_390 = arith.cmpi sge, %add3A_376, %ge3A_389 : i32
      %convert_element_type3A_391 = arith.extui %ge3A_390 : i1 to i32
      %cond3A_392 = arith.constant 0 : i32
      %cond3A_393 = arith.cmpi ne, %convert_element_type3A_391, %cond3A_392 : i32
      scf.if %cond3A_393 {
        %sub3A = arith.constant 5 : i32
        %sub3A_429 = arith.subi %add3A_376, %sub3A : i32
        %dma_wait3A_430 = arith.constant 0 : i32
        %dma_wait3A_431 = tpu.memref_slice %arg7[%sub3A_429, %mul3A_2, %dma_wait3A_430] : memref<50x4096x128xf32, #tpu.memory_space<hbm>> -> memref<1x128x64xf32, #tpu.memory_space<hbm>>
        %dma_wait3A_432 = tpu.memref_squeeze %dma_wait3A_431 : memref<1x128x64xf32, #tpu.memory_space<hbm>> -> memref<128x64xf32, #tpu.memory_space<hbm>>
        %dma_wait3A_433 = arith.constant 0 : i32
        %dma_wait3A_434 = tpu.memref_slice %arg7[%sub3A_429, %mul3A_2, %dma_wait3A_433] : memref<50x4096x128xf32, #tpu.memory_space<hbm>> -> memref<1x128x64xf32, #tpu.memory_space<hbm>>
        %dma_wait3A_435 = tpu.memref_squeeze %dma_wait3A_434 : memref<1x128x64xf32, #tpu.memory_space<hbm>> -> memref<128x64xf32, #tpu.memory_space<hbm>>
        tpu.wait_dma2 semaphore(%arg33 : memref<!tpu.dma_semaphore, #tpu.memory_space<semaphore_mem>>) src(%arg13 : memref<128x64xf32, #tpu.memory_space<vmem>>) dst(%dma_wait3A_435 : memref<128x64xf32, #tpu.memory_space<hbm>>)
      } else {
      }
      %add3A_394 = arith.constant 5 : i32
      %add3A_395 = arith.addi %add3A_376, %add3A_394 : i32
      %lt3A_396 = arith.constant 50 : i32
      %lt3A_397 = arith.cmpi slt, %add3A_395, %lt3A_396 : i32
      %convert_element_type3A_398 = arith.extui %lt3A_397 : i1 to i32
      %cond3A_399 = arith.constant 0 : i32
      %cond3A_400 = arith.cmpi ne, %convert_element_type3A_398, %cond3A_399 : i32
      scf.if %cond3A_400 {
        %add3A_429 = arith.constant 5 : i32
        %add3A_430 = arith.addi %add3A_376, %add3A_429 : i32
        %dma_start3A_431 = arith.constant 0 : i32
        %dma_start3A_432 = tpu.memref_slice %arg9[%add3A_430, %dma_start3A_431] : memref<50x128xi32, #tpu.memory_space<vmem>> -> memref<1x128xi32, #tpu.memory_space<vmem>>
        %dma_start3A_433 = tpu.memref_squeeze %dma_start3A_432 : memref<1x128xi32, #tpu.memory_space<vmem>> -> memref<128xi32, #tpu.memory_space<vmem>>
        %dma_start3A_434 = arith.constant 0 : i32
        %dma_start3A_435 = arith.constant 0 : i32
        %dma_start3A_436 = tpu.memref_slice %arg3[%dma_start3A_434, %dma_start3A_435] : memref<100000x64xf32, #tpu.memory_space<hbm>> -> memref<100000x64xf32, #tpu.memory_space<hbm>>
        tpu.enqueue_indirect_dma source(%dma_start3A_436 : memref<100000x64xf32, #tpu.memory_space<hbm>>) target(%arg13 : memref<128x64xf32, #tpu.memory_space<vmem>>) offsets(%dma_start3A_433 : memref<128xi32, #tpu.memory_space<vmem>>) semaphore(%arg23 : memref<!tpu.dma_semaphore, #tpu.memory_space<semaphore_mem>>)
      } else {
      }
      %mul3A_401 = arith.constant 10 : i32
      %mul3A_402 = arith.muli %mul3A_401, %scan3A_152 : i32
      %add3A_403 = arith.constant 9 : i32
      %add3A_404 = arith.addi %mul3A_402, %add3A_403 : i32
      %dma_wait3A_405 = arith.constant 0 : i32
      %dma_wait3A_406 = tpu.memref_slice %arg9[%add3A_404, %dma_wait3A_405] : memref<50x128xi32, #tpu.memory_space<vmem>> -> memref<1x128xi32, #tpu.memory_space<vmem>>
      %dma_wait3A_407 = tpu.memref_squeeze %dma_wait3A_406 : memref<1x128xi32, #tpu.memory_space<vmem>> -> memref<128xi32, #tpu.memory_space<vmem>>
      %dma_wait3A_408 = arith.constant 0 : i32
      %dma_wait3A_409 = arith.constant 0 : i32
      %dma_wait3A_410 = tpu.memref_slice %arg3[%dma_wait3A_408, %dma_wait3A_409] : memref<100000x64xf32, #tpu.memory_space<hbm>> -> memref<100000x64xf32, #tpu.memory_space<hbm>>
      tpu.wait_indirect_dma semaphore(%arg29 : memref<!tpu.dma_semaphore, #tpu.memory_space<semaphore_mem>>) src(%dma_wait3A_410 : memref<100000x64xf32, #tpu.memory_space<hbm>>) dst(%arg19 : memref<128x64xf32, #tpu.memory_space<vmem>>)
      %dma_start3A_411 = arith.constant 0 : i32
      %dma_start3A_412 = tpu.memref_slice %arg7[%add3A_404, %mul3A_2, %dma_start3A_411] : memref<50x4096x128xf32, #tpu.memory_space<hbm>> -> memref<1x128x64xf32, #tpu.memory_space<hbm>>
      %dma_start3A_413 = tpu.memref_squeeze %dma_start3A_412 : memref<1x128x64xf32, #tpu.memory_space<hbm>> -> memref<128x64xf32, #tpu.memory_space<hbm>>
      %dma_start3A_414 = arith.constant 0 : i32
      %dma_start3A_415 = tpu.memref_slice %arg7[%add3A_404, %mul3A_2, %dma_start3A_414] : memref<50x4096x128xf32, #tpu.memory_space<hbm>> -> memref<1x128x64xf32, #tpu.memory_space<hbm>>
      %dma_start3A_416 = tpu.memref_squeeze %dma_start3A_415 : memref<1x128x64xf32, #tpu.memory_space<hbm>> -> memref<128x64xf32, #tpu.memory_space<hbm>>
      tpu.enqueue_dma source(%arg19 : memref<128x64xf32, #tpu.memory_space<vmem>>) target(%dma_start3A_416 : memref<128x64xf32, #tpu.memory_space<hbm>>) target_semaphore(%arg39 : memref<!tpu.dma_semaphore, #tpu.memory_space<semaphore_mem>>)
      %ge3A_417 = arith.constant 5 : i32
      %ge3A_418 = arith.cmpi sge, %add3A_404, %ge3A_417 : i32
      %convert_element_type3A_419 = arith.extui %ge3A_418 : i1 to i32
      %cond3A_420 = arith.constant 0 : i32
      %cond3A_421 = arith.cmpi ne, %convert_element_type3A_419, %cond3A_420 : i32
      scf.if %cond3A_421 {
        %sub3A = arith.constant 5 : i32
        %sub3A_429 = arith.subi %add3A_404, %sub3A : i32
        %dma_wait3A_430 = arith.constant 0 : i32
        %dma_wait3A_431 = tpu.memref_slice %arg7[%sub3A_429, %mul3A_2, %dma_wait3A_430] : memref<50x4096x128xf32, #tpu.memory_space<hbm>> -> memref<1x128x64xf32, #tpu.memory_space<hbm>>
        %dma_wait3A_432 = tpu.memref_squeeze %dma_wait3A_431 : memref<1x128x64xf32, #tpu.memory_space<hbm>> -> memref<128x64xf32, #tpu.memory_space<hbm>>
        %dma_wait3A_433 = arith.constant 0 : i32
        %dma_wait3A_434 = tpu.memref_slice %arg7[%sub3A_429, %mul3A_2, %dma_wait3A_433] : memref<50x4096x128xf32, #tpu.memory_space<hbm>> -> memref<1x128x64xf32, #tpu.memory_space<hbm>>
        %dma_wait3A_435 = tpu.memref_squeeze %dma_wait3A_434 : memref<1x128x64xf32, #tpu.memory_space<hbm>> -> memref<128x64xf32, #tpu.memory_space<hbm>>
        tpu.wait_dma2 semaphore(%arg34 : memref<!tpu.dma_semaphore, #tpu.memory_space<semaphore_mem>>) src(%arg14 : memref<128x64xf32, #tpu.memory_space<vmem>>) dst(%dma_wait3A_435 : memref<128x64xf32, #tpu.memory_space<hbm>>)
      } else {
      }
      %add3A_422 = arith.constant 5 : i32
      %add3A_423 = arith.addi %add3A_404, %add3A_422 : i32
      %lt3A_424 = arith.constant 50 : i32
      %lt3A_425 = arith.cmpi slt, %add3A_423, %lt3A_424 : i32
      %convert_element_type3A_426 = arith.extui %lt3A_425 : i1 to i32
      %cond3A_427 = arith.constant 0 : i32
      %cond3A_428 = arith.cmpi ne, %convert_element_type3A_426, %cond3A_427 : i32
      scf.if %cond3A_428 {
        %add3A_429 = arith.constant 5 : i32
        %add3A_430 = arith.addi %add3A_404, %add3A_429 : i32
        %dma_start3A_431 = arith.constant 0 : i32
        %dma_start3A_432 = tpu.memref_slice %arg9[%add3A_430, %dma_start3A_431] : memref<50x128xi32, #tpu.memory_space<vmem>> -> memref<1x128xi32, #tpu.memory_space<vmem>>
        %dma_start3A_433 = tpu.memref_squeeze %dma_start3A_432 : memref<1x128xi32, #tpu.memory_space<vmem>> -> memref<128xi32, #tpu.memory_space<vmem>>
        %dma_start3A_434 = arith.constant 0 : i32
        %dma_start3A_435 = arith.constant 0 : i32
        %dma_start3A_436 = tpu.memref_slice %arg3[%dma_start3A_434, %dma_start3A_435] : memref<100000x64xf32, #tpu.memory_space<hbm>> -> memref<100000x64xf32, #tpu.memory_space<hbm>>
        tpu.enqueue_indirect_dma source(%dma_start3A_436 : memref<100000x64xf32, #tpu.memory_space<hbm>>) target(%arg14 : memref<128x64xf32, #tpu.memory_space<vmem>>) offsets(%dma_start3A_433 : memref<128xi32, #tpu.memory_space<vmem>>) semaphore(%arg24 : memref<!tpu.dma_semaphore, #tpu.memory_space<semaphore_mem>>)
      } else {
      }
    }
    %scan3A_116 = arith.constant 5 : i32
    %dma_wait3A_117 = arith.constant 45 : i32
    %dma_wait3A_118 = arith.constant 0 : i32
    %dma_wait3A_119 = tpu.memref_slice %arg7[%dma_wait3A_117, %mul3A_2, %dma_wait3A_118] : memref<50x4096x128xf32, #tpu.memory_space<hbm>> -> memref<1x128x64xf32, #tpu.memory_space<hbm>>
    %dma_wait3A_120 = tpu.memref_squeeze %dma_wait3A_119 : memref<1x128x64xf32, #tpu.memory_space<hbm>> -> memref<128x64xf32, #tpu.memory_space<hbm>>
    %dma_wait3A_121 = arith.constant 0 : i32
    %dma_wait3A_122 = tpu.memref_slice %arg7[%dma_wait3A_117, %mul3A_2, %dma_wait3A_121] : memref<50x4096x128xf32, #tpu.memory_space<hbm>> -> memref<1x128x64xf32, #tpu.memory_space<hbm>>
    %dma_wait3A_123 = tpu.memref_squeeze %dma_wait3A_122 : memref<1x128x64xf32, #tpu.memory_space<hbm>> -> memref<128x64xf32, #tpu.memory_space<hbm>>
    tpu.wait_dma2 semaphore(%arg35 : memref<!tpu.dma_semaphore, #tpu.memory_space<semaphore_mem>>) src(%arg15 : memref<128x64xf32, #tpu.memory_space<vmem>>) dst(%dma_wait3A_123 : memref<128x64xf32, #tpu.memory_space<hbm>>)
    %dma_wait3A_124 = arith.constant 46 : i32
    %dma_wait3A_125 = arith.constant 0 : i32
    %dma_wait3A_126 = tpu.memref_slice %arg7[%dma_wait3A_124, %mul3A_2, %dma_wait3A_125] : memref<50x4096x128xf32, #tpu.memory_space<hbm>> -> memref<1x128x64xf32, #tpu.memory_space<hbm>>
    %dma_wait3A_127 = tpu.memref_squeeze %dma_wait3A_126 : memref<1x128x64xf32, #tpu.memory_space<hbm>> -> memref<128x64xf32, #tpu.memory_space<hbm>>
    %dma_wait3A_128 = arith.constant 0 : i32
    %dma_wait3A_129 = tpu.memref_slice %arg7[%dma_wait3A_124, %mul3A_2, %dma_wait3A_128] : memref<50x4096x128xf32, #tpu.memory_space<hbm>> -> memref<1x128x64xf32, #tpu.memory_space<hbm>>
    %dma_wait3A_130 = tpu.memref_squeeze %dma_wait3A_129 : memref<1x128x64xf32, #tpu.memory_space<hbm>> -> memref<128x64xf32, #tpu.memory_space<hbm>>
    tpu.wait_dma2 semaphore(%arg36 : memref<!tpu.dma_semaphore, #tpu.memory_space<semaphore_mem>>) src(%arg16 : memref<128x64xf32, #tpu.memory_space<vmem>>) dst(%dma_wait3A_130 : memref<128x64xf32, #tpu.memory_space<hbm>>)
    %dma_wait3A_131 = arith.constant 47 : i32
    %dma_wait3A_132 = arith.constant 0 : i32
    %dma_wait3A_133 = tpu.memref_slice %arg7[%dma_wait3A_131, %mul3A_2, %dma_wait3A_132] : memref<50x4096x128xf32, #tpu.memory_space<hbm>> -> memref<1x128x64xf32, #tpu.memory_space<hbm>>
    %dma_wait3A_134 = tpu.memref_squeeze %dma_wait3A_133 : memref<1x128x64xf32, #tpu.memory_space<hbm>> -> memref<128x64xf32, #tpu.memory_space<hbm>>
    %dma_wait3A_135 = arith.constant 0 : i32
    %dma_wait3A_136 = tpu.memref_slice %arg7[%dma_wait3A_131, %mul3A_2, %dma_wait3A_135] : memref<50x4096x128xf32, #tpu.memory_space<hbm>> -> memref<1x128x64xf32, #tpu.memory_space<hbm>>
    %dma_wait3A_137 = tpu.memref_squeeze %dma_wait3A_136 : memref<1x128x64xf32, #tpu.memory_space<hbm>> -> memref<128x64xf32, #tpu.memory_space<hbm>>
    tpu.wait_dma2 semaphore(%arg37 : memref<!tpu.dma_semaphore, #tpu.memory_space<semaphore_mem>>) src(%arg17 : memref<128x64xf32, #tpu.memory_space<vmem>>) dst(%dma_wait3A_137 : memref<128x64xf32, #tpu.memory_space<hbm>>)
    %dma_wait3A_138 = arith.constant 48 : i32
    %dma_wait3A_139 = arith.constant 0 : i32
    %dma_wait3A_140 = tpu.memref_slice %arg7[%dma_wait3A_138, %mul3A_2, %dma_wait3A_139] : memref<50x4096x128xf32, #tpu.memory_space<hbm>> -> memref<1x128x64xf32, #tpu.memory_space<hbm>>
    %dma_wait3A_141 = tpu.memref_squeeze %dma_wait3A_140 : memref<1x128x64xf32, #tpu.memory_space<hbm>> -> memref<128x64xf32, #tpu.memory_space<hbm>>
    %dma_wait3A_142 = arith.constant 0 : i32
    %dma_wait3A_143 = tpu.memref_slice %arg7[%dma_wait3A_138, %mul3A_2, %dma_wait3A_142] : memref<50x4096x128xf32, #tpu.memory_space<hbm>> -> memref<1x128x64xf32, #tpu.memory_space<hbm>>
    %dma_wait3A_144 = tpu.memref_squeeze %dma_wait3A_143 : memref<1x128x64xf32, #tpu.memory_space<hbm>> -> memref<128x64xf32, #tpu.memory_space<hbm>>
    tpu.wait_dma2 semaphore(%arg38 : memref<!tpu.dma_semaphore, #tpu.memory_space<semaphore_mem>>) src(%arg18 : memref<128x64xf32, #tpu.memory_space<vmem>>) dst(%dma_wait3A_144 : memref<128x64xf32, #tpu.memory_space<hbm>>)
    %dma_wait3A_145 = arith.constant 49 : i32
    %dma_wait3A_146 = arith.constant 0 : i32
    %dma_wait3A_147 = tpu.memref_slice %arg7[%dma_wait3A_145, %mul3A_2, %dma_wait3A_146] : memref<50x4096x128xf32, #tpu.memory_space<hbm>> -> memref<1x128x64xf32, #tpu.memory_space<hbm>>
    %dma_wait3A_148 = tpu.memref_squeeze %dma_wait3A_147 : memref<1x128x64xf32, #tpu.memory_space<hbm>> -> memref<128x64xf32, #tpu.memory_space<hbm>>
    %dma_wait3A_149 = arith.constant 0 : i32
    %dma_wait3A_150 = tpu.memref_slice %arg7[%dma_wait3A_145, %mul3A_2, %dma_wait3A_149] : memref<50x4096x128xf32, #tpu.memory_space<hbm>> -> memref<1x128x64xf32, #tpu.memory_space<hbm>>
    %dma_wait3A_151 = tpu.memref_squeeze %dma_wait3A_150 : memref<1x128x64xf32, #tpu.memory_space<hbm>> -> memref<128x64xf32, #tpu.memory_space<hbm>>
    tpu.wait_dma2 semaphore(%arg39 : memref<!tpu.dma_semaphore, #tpu.memory_space<semaphore_mem>>) src(%arg19 : memref<128x64xf32, #tpu.memory_space<vmem>>) dst(%dma_wait3A_151 : memref<128x64xf32, #tpu.memory_space<hbm>>)
    return
  }
}

</mosaic_0001>

<sc_bundles>
// kernel: _dual_gather.3.cloned.1.call-start
scs
__scs_entry_jumppad:
0x0: {  	(pc) =	sbr.rel $0x88, $3  }
0x1: {  	(tag) =	ssettag $0x0;
	lr =	simm.s32 $0x1  }
0x2: {  	[smem:$0x3F9D] =	sst lr;
	_ =	strace $0xD0000000  }
0x3: {  	_ = 	snop  }
0x4: {  	_ = 	snop  }
0x5: {  	_ = 	snop  }
0x6: {  	_ = 	snop  }
0x7: {  	_ = 	snop  }
__scs_overlays_trampoline_lowered:
0x8: {  	[smem:$0x3FAC] =	sst s0  }
0x9: {  	[smem:$0x3FAD] =	sst s1  }
0xa: {  	[smem:$0x3FAE] =	sst s2  }
0xb: {  	[smem:$0x3FAF] =	sst s3  }
0xc: {  	[smem:$0x3FB0] =	sst s4  }
0xd: {  	[smem:$0x3FB1] =	sst s5  }
0xe: {  	[smem:$0x3FB2] =	sst s6  }
0xf: {  	[smem:$0x3FB3] =	sst s7  }
0x10: {  	[smem:$0x3FB4] =	sst s8  }
0x11: {  	[smem:$0x3FB5] =	sst s9;
	s0 =	simm.s32 @!p0 $0x0  }
0x12: {  	s1 =	sld [smem:$0x3F9B];
	s0 =	simm.s32 @p0 $0x1  }
0x13: {  	[smem:$0x3FB6] =	sst s0;
	s0 =	simm.s32 @!p1 $0x0  }
0x14: {  	s2 =	sld [smem:$0x3F9A];
	s0 =	simm.s32 @p1 $0x1  }
0x15: {  	[smem:$0x3FB7] =	sst s0;
	s0 =	simm.s32 @!p2 $0x0  }
0x16: {  	s3 =	sld [smem:$0x3FDB];
	s0 =	simm.s32 @p2 $0x1  }
0x17: {  	s4 =	simm.s32 $0x1BF5;
	[smem:$0x3FB9] =	sst s0  }
0x18: {  	s0 =	sld [smem:$0x3F9C];
	_ =	swait.ge [sflag:s4], $0x0  }
0x19: {  	s7 =	sld [smem:$0x3F9D]  }
0x1a: {  	s8 =	sadd.s32 $0xFFFFE003, lr  }
0x1b: {  	s9 =	sadd.s32 $0xFFFFFEF7, lr;
	s5 =	simm.s32 $0xFFFFFFFF;
	p2 =	slt.u32 s8, $0xFFFFF086  }
0x1c: {  	p1 =	slt.u32 s9, $0xF7A;
	s5 =	simm.s32 @!p2 $0x0  }
0x1d: {  	s5 =	simm.s32 @p1 $0x1;
	p0 =	seq.s32 s7, s2  }
0x1e: {  	s7 =	smul.u32 @!p0 $0xF7A, s2;
	p2 =	seq.s32 @!p0 s5, $0x0  }
0x1f: {  	s9 =	smul.u32 $0xF7A, s1;
	s8 =	simm.s32 @!p0 $0x1BF5;
	p2 =	por !p2, p0  }
0x20: {  	[sflag:s8] =	ssyncset.s32 @!p0 $0xFFFFF086;
	s6 =	sadd.s32 @!p0 s3, s7;
	s7 =	simm.s32 @!p0 $0x108  }
0x21: {  	s3 =	sadd.s32 s3, s9;
	s6 =	sadd.s32 @!p0 $0x88, s6;
	s7 =	simm.s32 @p2 $0x1082  }
0x22: {  	[simem:s7], [sflag:s8] =	dma.local @!p0 [hbm:s6], $0xF7A  }
0x23: {  	s9 =	sor.u32 $0xD0000000, s2;
	s6 =	simm.s32 $0x108;
	_ =	swait.ge @!p0 [sflag:s8], $0x0  }
0x24: {  	s3 =	sadd.s32 $0x88, s3;
	s6 =	simm.s32 @!p1 $0x1082;
	[sflag:s4] =	ssyncset.s32 $0xFFFFF086  }
0x25: {  	[simem:s6], [sflag:s4] =	dma.local [hbm:s3], $0xF7A  }
0x26: {  	[smem:$0x3F9D] =	sst s1;
	(tag) =	ssettag s2;
	_ =	strace s9  }
0x27: {  	s1 =	sld [smem:$0x3FAD]  }
0x28: {  	s2 =	sld [smem:$0x3FAE]  }
0x29: {  	s4 =	sld [smem:$0x3FB0]  }
0x2a: {  	p0 =	seq.s32 s5, $0x0;
	s5 =	sld [smem:$0x3FB1]  }
0x2b: {  	s6 =	sld [smem:$0x3FB2]  }
0x2c: {  	s7 =	sld [smem:$0x3FB3]  }
0x2d: {  	s3 =	simm.s32 $0x108;
	s8 =	sld [smem:$0x3FB4]  }
0x2e: {  	s3 =	simm.s32 @!p0 $0x1082;
	s9 =	sld [smem:$0x3FB5]  }
0x2f: {  	lr =	sadd.s32 s0, s3;
	s0 =	sld [smem:$0x3FAC]  }
0x30: {  	s3 =	sld [smem:$0x3FAF]  }
0x31: {  	[smem:$0x3FB8] =	sst s10  }
0x32: {  	s10 =	sld [smem:$0x3FB6];
	_ =	sdelay $0x3  }
0x33: {  	p0 =	seq.s32 s10, $0x1;
	s10 =	sld [smem:$0x3FB8];
	_ =	sdelay $0x3  }
0x34: {  	[smem:$0x3FB8] =	sst s10  }
0x35: {  	s10 =	sld [smem:$0x3FB7];
	_ =	sdelay $0x3  }
0x36: {  	p1 =	seq.s32 s10, $0x1;
	s10 =	sld [smem:$0x3FB8];
	_ =	sdelay $0x3  }
0x37: {  	[smem:$0x3FB8] =	sst s10  }
0x38: {  	s10 =	sld [smem:$0x3FB9]  }
0x39: {  	_ = 	snop;
	(pc) =	sbr.ind lr, $3  }
0x3a: {  	_ = 	snop  }
0x3b: {  	_ = 	snop  }
0x3c: {  	p2 =	seq.s32 s10, $0x1;
	s10 =	sld [smem:$0x3FB8]  }
0x3d: {  	_ =	shalt  }
0x3e: {  	_ =	shalt  }
0x3f: {  	_ =	shalt  }
0x40: {  	_ =	shalt  }
0x41: {  	_ =	shalt  }
0x42: {  	_ =	shalt  }
0x43: {  	_ =	shalt  }
0x44: {  	_ =	shalt  }
0x45: {  	_ =	shalt  }
0x46: {  	_ =	shalt  }
0x47: {  	_ =	shalt  }
0x48: {  	_ =	shalt  }
0x49: {  	_ =	shalt  }
0x4a: {  	_ =	shalt  }
0x4b: {  	_ =	shalt  }
0x4c: {  	_ =	shalt  }
0x4d: {  	_ =	shalt  }
0x4e: {  	_ =	shalt  }
0x4f: {  	_ =	shalt  }
0x50: {  	_ =	shalt  }
0x51: {  	_ =	shalt  }
0x52: {  	_ =	shalt  }
0x53: {  	_ =	shalt  }
0x54: {  	_ =	shalt  }
0x55: {  	_ =	shalt  }
0x56: {  	_ =	shalt  }
0x57: {  	_ =	shalt  }
0x58: {  	_ =	shalt  }
0x59: {  	_ =	shalt  }
0x5a: {  	_ =	shalt  }
0x5b: {  	_ =	shalt  }
0x5c: {  	_ =	shalt  }
0x5d: {  	_ =	shalt  }
0x5e: {  	_ =	shalt  }
0x5f: {  	_ =	shalt  }
0x60: {  	_ =	shalt  }
0x61: {  	_ =	shalt  }
0x62: {  	_ =	shalt  }
0x63: {  	_ =	shalt  }
0x64: {  	_ =	shalt  }
0x65: {  	_ =	shalt  }
0x66: {  	_ =	shalt  }
0x67: {  	_ =	shalt  }
0x68: {  	_ =	shalt  }
0x69: {  	_ =	shalt  }
0x6a: {  	_ =	shalt  }
0x6b: {  	_ =	shalt  }
0x6c: {  	_ =	shalt  }
0x6d: {  	_ =	shalt  }
0x6e: {  	_ =	shalt  }
0x6f: {  	_ =	shalt  }
0x70: {  	_ =	shalt  }
0x71: {  	_ =	shalt  }
0x72: {  	_ =	shalt  }
0x73: {  	_ =	shalt  }
0x74: {  	_ =	shalt  }
0x75: {  	_ =	shalt  }
0x76: {  	_ =	shalt  }
0x77: {  	_ =	shalt  }
0x78: {  	_ =	shalt  }
0x79: {  	_ =	shalt  }
0x7a: {  	_ =	shalt  }
0x7b: {  	_ =	shalt  }
0x7c: {  	_ =	shalt  }
0x7d: {  	_ =	shalt  }
0x7e: {  	_ =	shalt  }
0x7f: {  	_ =	shalt  }
0x80: {  	_ =	shalt  }
0x81: {  	_ =	shalt  }
0x82: {  	_ =	shalt  }
0x83: {  	_ =	shalt  }
0x84: {  	_ =	shalt  }
0x85: {  	_ =	shalt  }
0x86: {  	_ =	shalt  }
0x87: {  	_ =	shalt  }
.Lfunc_end0:
.L_simem_size_0:
called_computation_lowered:
.L_overlay_start_0:
0x88: {  	s2 =	sld [smem:$0x3FD9]  }
0x89: {  	s3 =	sld [smem:$0x3FFE];
	_ =	sdelay $0x1  }
0x8a: {  	s1 =	srdreg.scid  }
0x8b: {  	s0 =	sand.u32 $0x1, s1  }
0x8c: {  	s14 =	sshll.u32 s0, $0xA;
	s2 =	sadd.s32 s3, s2  }
0x8d: {  	s2 =	sadd.s32 s2, s14  }
0x8e: {  	[smem:$0x3FC4] =	sst s2  }
0x8f: {  	_ = 	snop  }
0x90: {  	s2 =	sld [smem:$0x3FD0];
	_ =	sdelay $0x2  }
0x91: {  	s15 =	simm.s32 $0xA;
	s4 =	simm.s32 $0x10  }
0x92: {  	[smem:s4], [sflag:s15] =	dma.local [hbm:s2], $0x1  }
0x93: {  	_ =	swait.eq [sflag:s15], $0x1  }
0x94: {  	[sflag:s15] =	ssyncset.done $0x0  }
0x95: {  	s16 =	sld [smem:$0x10];
	[sflag:s15] =	ssyncadd.s32 $0xFFFFFFFF  }
0x96: {  	s17 =	sld [smem:$0x11];
	(tm) =	ssettm $0x1  }
0x97: {  	s18 =	sld [smem:$0x3FFB];
	_ =	sdelay $0x3  }
0x98: {  	_ =	strace s18  }
0x99: {  	s4 =	sld [smem:$0x3FFC];
	_ =	sdelay $0x3  }
0x9a: {  	_ =	strace s4  }
0x9b: {  	s4 =	sld [smem:$0x3FFD];
	_ =	sdelay $0x3  }
0x9c: {  	_ =	strace s4  }
0x9d: {  	_ =	strace $0x8FFFFFFF  }
0x9e: {  	s19 =	sld [smem:$0x3FDB];
	_ =	sdelay $0x1  }
0x9f: {  	s5 =	simm.s32 $_scs_section_size  }
0xa0: {  	s6 =	simm.s32 $_size__tile_overlayer_lowered;
	s7 =	simm.s32 $_tile_overlayer_lowered  }
0xa1: {  	s22 =	simm.s32 $0x1BFF;
	s21 =	sshll.u32 s7, $0x1;
	s4 =	sadd.s32 s5, s19  }
0xa2: {  	s8 =	simm.s32 $0x0;
	s20 =	sshll.u32 s6, $0x1;
	s6 =	sadd.s32 s21, s4  }
0xa3: {  	[timem:s8], [sflag:s22] =	dma.local [hbm:s6], s20  }
0xa4: {  	_ =	swait.ge [sflag:s22], s20  }
0xa5: {  	s5 =	ssub.s32 $0x0, s20;
	[sflag:s22] =	ssyncset.done $0x0  }
0xa6: {  	[sflag:s22] =	ssyncadd.s32 s5;
	_ =	sdelay $0x1  }
0xa7: {  	s23 =	simm.s32 $0x1B8B  }
0xa8: {  	_ =	swait.ge [sflag:s23], $0x1  }
0xa9: {  	[sflag:s23] =	ssyncset.done $0x0  }
0xaa: {  	s25 =	simm.s32 $0x1B8E;
	s24 =	sld [smem:$0x3FFE];
	[sflag:s23] =	ssyncadd.s32 $0xFFFFFFFF  }
0xab: {  	s26 =	simm.s32 $execute0_lowered;
	[smem:$0x3FD2] =	sst s25  }
0xac: {  	s6 =	sshll.u32 s26, $0x1;
	_ =	strace $0x80000046;
	[dreg:$0x1] =	wrdreg $0xFFFFFFFF  }
0xad: {  	s28 =	simm.s32 $_size_execute0_lowered;
	s4 =	sadd.s32 s4, s6;
	[dreg:$0x0] =	wrdreg $0x0  }
0xae: {  	s6 =	sshll.u32 s28, $0x1;
	[dreg:$0x2] =	wrdreg s4  }
0xaf: {  	[dreg:$0x3] =	wrdreg s6  }
0xb0: {  	[dreg:$0x4] =	wrdreg $0xC0  }
0xb1: {  	_ =	task [dreg:s8], $0x5FFFF  }
0xb2: {  	[dreg:$0x1] =	wrdreg $0xFFFFFFFF  }
0xb3: {  	[dreg:$0x0] =	wrdreg $0x60  }
0xb4: {  	[dreg:$0x2] =	wrdreg s24  }
0xb5: {  	[dreg:$0x3] =	wrdreg s16  }
0xb6: {  	[dreg:$0x4] =	wrdreg s17  }
0xb7: {  	[dreg:$0x5] =	wrdreg $0x9  }
0xb8: {  	_ =	task.clear_ibuf [dreg:s8], $0x6FFFF;
	_ =	strace $0x90000046  }
0xb9: {  	s29 =	simm.s32 $0x9;
	_ =	strace $0x80000048  }
0xba: {  	_ =	swait.ge [sflag:s29], $0x1  }
0xbb: {  	[sflag:s29] =	ssyncadd.s32 $0xFFFFFFFF  }
0xbc: {  	_ =	strace $0x90000048  }
0xbd: {  	_ =	sfence  }
0xbe: {  	s30 =	sld [smem:$0x0];
	_ =	sdelay $0x2  }
0xbf: {  	s31 =	sshll.u32 s1, $0xD;
	s1 =	sshrl.u32 s1, $0x2  }
0xc0: {  	s3 =	sand.u32 $0x4000, s31;
	s1 =	sadd.s32 s1, s30  }
0xc1: {  	s0 =	sor.u32 s3, s0;
	s1 =	sshll.u32 s1, $0x11  }
0xc2: {  	s0 =	sor.u32 s1, s0  }
0xc3: {  	s0 =	sadd.s32 $0x8F2B, s0  }
0xc4: {  	[sflag:s0] =	ssyncadd.remote.s32 $0x1  }
0xc5: {  	_ =	sfence.sel $0xFFFF  }
0xc6: {  	[dreg:$0x0] =	wrdreg $0xFFFFFFFF;
	(pc) =	sbr.abs _section_cstart, $3  }
0xc7: {  	[dreg:$0x1] =	wrdreg $0xFFFFFFFF  }
0xc8: {  	_ =	task.clear_ibuf [dreg:s8], $0x2FFFF;
	_ =	strace $0x9FFFFFFF  }
0xc9: {  	(tm) =	ssettm $0x7FFFFFFF  }
tec
execute0_lowered:
.L_overlay_start_1:
0x0: {  	(tag) =	ssettag $0x1  }
0x1: {  	s0 =	rddreg [dreg:$0x0]  }
0x2: {  	s1 =	srdreg.scid;
	s2 =	simm.s32 $0x0;
	s7 =	stileid.u32  }
0x3: {  	s28 =	simm.s32 $0x3;
	s30 =	simm.s32 $0x11200;
	s8 =	simm.s32 $0x5  }
0x4: {  	s9 =	simm.s32 $0x15200;
	s29 =	simm.s32 $0x9;
	s10 =	simm.s32 $0xE  }
0x5: {  	s11 =	simm.s32 $0xA;
	s1 =	sand.u32 $0x1, s1;
	[smem:$0x7FF] =	sst s2  }
0x6: {  	s12 =	sshll.u32 s7, $0x8;
	s5 =	sadd.s32 $0xEC00, s0;
	s6 =	sadd.s32 $0xD2200, s0  }
0x7: {  	s16 =	sshll.u32 s7, $0xF;
	s7 =	simm.s32 $0x13200;
	s3 =	sshll.u32 s1, $0x7  }
0x8: {  	_ =	strace $0x80000047;
	s13 =	ssub.s32 $0x2, s1;
	s1 =	sshll.u32 s1, $0xE  }
0x9: {  	s2 =	sor.u32 s3, s12;
	s4 =	sshrl.u32 s13, $0x1;
	s18 =	sor.u32 s1, s16  }
0xa: {  	s12 =	simm.s32 $0xF;
	s2 =	sshrl.u32 s2, $0x3;
	s14 =	ssub.s32 s13, s4  }
0xb: {  	s1 =	sor.u32 $0x200000, s18;
	s19 =	sor.u32 $0x180000, s18;
	s3 =	sor.u32 $0x100000, s18  }
0xc: {  	s22 =	sshrl.u32 s18, $0x3;
	s23 =	sor.u32 $0x480000, s18;
	s24 =	sor.u32 $0x400000, s18  }
0xd: {  	s26 =	sor.u32 $0x380000, s18;
	s31 =	sor.u32 $0x300000, s18;
	s4 =	simm.s32 $0x4  }
0xe: {  	s0 =	sadd.s32 s2, s0;
	s17 =	smax.u32 s14, $0x1;
	s1 =	sshrl.u32 s1, $0x3  }
0xf: {  	s20 =	sshrl.u32 s19, $0x3;
	s21 =	sshrl.u32 s3, $0x3;
	[dreg:$0xa] =	wrdreg s22  }
0x10: {  	s25 =	sshrl.u32 s24, $0x3;
	s19 =	simm.s32 $0x80;
	[dreg:$0x6] =	wrdreg s17  }
0x11: {  	s2 =	simm.s32 $0x40;
	s3 =	simm.s32 $0x2;
	[dreg:$0x7] =	wrdreg s1  }
0x12: {  	s22 =	simm.s32 $0xB;
	s24 =	simm.s32 $0x8;
	[dreg:$0x8] =	wrdreg s20  }
0x13: {  	s14 =	simm.s32 $0x0;
	s15 =	sadd.s32 $0x2400, s0;
	[dreg:$0x9] =	wrdreg s21  }
0x14: {  	s0 =	sadd.s32 $0x8800, s0;
	s1 =	sshrl.u32 s23, $0x3;
	[dreg:$0xc] =	wrdreg s25  }
0x15: {  	s25 =	simm.s32 $0xF200;
	s20 =	simm.s32 $0x6;
	[dreg:$0x4] =	wrdreg s15  }
.Ltmp0:
0x16: {  	s21 =	simm.s32 $0x7;
	[dreg:$0x5] =	wrdreg s0;
	(pc) =	sbr.rel .LBB2_1-.Ltmp0, $4  }
0x17: {  	s23 =	simm.s32 $0xC;
	[dreg:$0xb] =	wrdreg s1;
	s1 =	sshrl.u32 s26, $0x3  }
0x18: {  	s0 =	sor.u32 $0x280000, s18;
	[dreg:$0xd] =	wrdreg s1;
	s1 =	sshrl.u32 s31, $0x3  }
0x19: {  	s18 =	simm.s32 $0xB200;
	s0 =	sshrl.u32 s0, $0x3;
	[dreg:$0xe] =	wrdreg s1  }
0x1a: {  	s26 =	simm.s32 $0xD;
	[dreg:$0xf] =	wrdreg s0;
	s0 =	simm.s32 $0x1  }
.LBB2_7:
0x1b: {  	s1 =	simm.s32 $0x10  }
0x1c: {  	_ =	swait.ge [sflag:s1], $0x2000  }
0x1d: {  	[sflag:s1] =	ssyncset.done $0x0  }
0x1e: {  	s16 =	simm.s32 $0x11;
	[sflag:s1] =	ssyncadd.s32 $0xFFFFE000  }
0x1f: {  	_ =	swait.ge [sflag:s16], $0x2000  }
0x20: {  	[sflag:s16] =	ssyncset.done $0x0  }
0x21: {  	s17 =	simm.s32 $0x12;
	[sflag:s16] =	ssyncadd.s32 $0xFFFFE000  }
0x22: {  	_ =	swait.ge [sflag:s17], $0x2000  }
0x23: {  	[sflag:s17] =	ssyncset.done $0x0  }
0x24: {  	s18 =	simm.s32 $0x13;
	[sflag:s17] =	ssyncadd.s32 $0xFFFFE000  }
0x25: {  	_ =	swait.ge [sflag:s18], $0x2000  }
0x26: {  	[sflag:s18] =	ssyncset.done $0x0  }
0x27: {  	s31 =	simm.s32 $0x14;
	[sflag:s18] =	ssyncadd.s32 $0xFFFFE000  }
0x28: {  	_ =	swait.ge [sflag:s31], $0x2000  }
0x29: {  	s14 =	rddreg [dreg:$0x10]  }
0x2a: {  	s13 =	rddreg [dreg:$0x6];
	s14 =	sadd.s32 $0x1, s14  }
0x2b: {  	p0 =	sne.s32 s14, s13  }
.Ltmp1:
0x2c: {  	_ = 	snop;
	(pc) =	sbr.rel @!p0 .LBB2_8-.Ltmp1, $3  }
0x2d: {  	_ =	sdelay $0x1  }
0x2e: {  	[sflag:s31] =	ssyncset.done $0x0  }
0x2f: {  	s18 =	simm.s32 $0xB200;
	[sflag:s31] =	ssyncadd.s32 $0xFFFFE000  }
.LBB2_1:
0x30: {  	[dreg:$0x10] =	wrdreg s14;
	s13 =	simm.s32 $0x0  }
0x31: {  	s31 =	rddreg [dreg:$0x4];
	s15 =	simm.s32 $0x1000;
	s16 =	simm.s32 $0x15  }
0x32: {  	[tilespmem:s13], [sflag:$0x15] =	stream.strided.gather [hbm4b:s31+s19], $0x1900, s15, s19, $0x38;
	[tilespmem:$0x17200] =	vst v63  }
0x33: {  	_ =	swait.ge [sflag:s16], $0x1900  }
0x34: {  	[sflag:s16] =	ssyncset.done $0x0  }
0x35: {  	s17 =	simm.s32 $0x1900;
	s1 =	rddreg [dreg:$0x5];
	[sflag:s16] =	ssyncadd.s32 $0xFFFFE700  }
0x36: {  	[tilespmem:s17], [sflag:$0x15] =	stream.strided.gather [hbm4b:s1+s19], $0x1900, s15, s19, $0x38;
	[tilespmem:$0x17200] =	vst v63  }
0x37: {  	_ =	swait.ge [sflag:s16], $0x1900  }
0x38: {  	[sflag:s16] =	ssyncset.done $0x0  }
0x39: {  	s31 =	simm.s32 $0x3200;
	[sflag:s16] =	ssyncadd.s32 $0xFFFFE700  }
0x3a: {  	[tilespmem:s31], [sflag:$0x1] =	stream.indirect.gather [hbm4b:s5+s19], $0x40, s13, s19, $0xb8;
	[tilespmem:$0x17200] =	vst v63  }
0x3b: {  	s1 =	simm.s32 $0x5200  }
0x3c: {  	[tilespmem:s1], [sflag:$0x2] =	stream.indirect.gather [hbm4b:s5+s19], $0x40, s19, s19, $0xb8;
	[tilespmem:$0x17200] =	vst v63  }
0x3d: {  	s14 =	simm.s32 $0x100;
	s15 =	simm.s32 $0x7200  }
0x3e: {  	[tilespmem:s15], [sflag:$0x3] =	stream.indirect.gather [hbm4b:s5+s19], $0x40, s14, s19, $0xb8;
	[tilespmem:$0x17200] =	vst v63  }
0x3f: {  	s17 =	simm.s32 $0x9200;
	s16 =	simm.s32 $0x180  }
0x40: {  	[tilespmem:s17], [sflag:$0x4] =	stream.indirect.gather [hbm4b:s5+s19], $0x40, s16, s19, $0xb8;
	[tilespmem:$0x17200] =	vst v63  }
0x41: {  	s31 =	simm.s32 $0x200;
	s13 =	rddreg [dreg:$0x1];
	s14 =	simm.s32 $0x0  }
0x42: {  	[tilespmem:s18], [sflag:$0x5] =	stream.indirect.gather [hbm4b:s5+s19], $0x40, s31, s19, $0xb8;
	[tilespmem:$0x17200] =	vst v63  }
.LBB2_2:
0x43: {  	_ =	swait.ge [sflag:s0], $0x2000  }
0x44: {  	s17 =	simm.s32 $0x3200;
	[sflag:s0] =	ssyncset.done $0x0;
	s15 =	rddreg [dreg:$0xa]  }
0x45: {  	p0 =	seq.s32 s14, $0x0;
	[sflag:s0] =	ssyncadd.s32 $0xFFFFE000;
	s16 =	sadd.s32 s13, s15  }
0x46: {  	[hbm4b:s16+s2] =	stream.strided.scatter [tilespmem:s17], [sflag:$0xB], $0x2000, s19, s2, $0x38;
	[tilespmem:$0x17200] =	vst v63  }
0x47: {  	s17 =	simm.s32 @!p0 $0x10  }
0x48: {  	_ =	swait.ge @!p0 [sflag:s17], $0x2000  }
0x49: {  	s15 =	sshra.s32 s14, $0x2;
	[sflag:s17] =	ssyncset.done @!p0 $0x0  }
0x4a: {  	s1 =	simm.s32 $0xD200;
	s31 =	sadd.s32 $0x280, s15;
	[sflag:s17] =	ssyncadd.s32 @!p0 $0xFFFFE000  }
0x4b: {  	[tilespmem:s1], [sflag:$0x6] =	stream.indirect.gather [hbm4b:s5+s19], $0x40, s31, s19, $0xb8;
	[tilespmem:$0x17200] =	vst v63  }
0x4c: {  	_ =	swait.ge [sflag:s3], $0x2000  }
0x4d: {  	[sflag:s3] =	ssyncset.done $0x0  }
0x4e: {  	s16 =	sadd.s32 $0x10000, s16;
	s31 =	simm.s32 $0x5200;
	[sflag:s3] =	ssyncadd.s32 $0xFFFFE000  }
0x4f: {  	[hbm4b:s16+s2] =	stream.strided.scatter [tilespmem:s31], [sflag:$0xC], $0x2000, s19, s2, $0x38;
	[tilespmem:$0x17200] =	vst v63  }
0x50: {  	s16 =	simm.s32 @!p0 $0x11  }
0x51: {  	_ =	swait.ge @!p0 [sflag:s16], $0x2000  }
0x52: {  	[sflag:s16] =	ssyncset.done @!p0 $0x0  }
0x53: {  	s31 =	sadd.s32 $0x300, s15;
	[sflag:s16] =	ssyncadd.s32 @!p0 $0xFFFFE000  }
0x54: {  	[tilespmem:s25], [sflag:$0x7] =	stream.indirect.gather [hbm4b:s5+s19], $0x40, s31, s19, $0xb8;
	[tilespmem:$0x17200] =	vst v63  }
0x55: {  	_ =	swait.ge [sflag:s28], $0x2000  }
0x56: {  	[sflag:s28] =	ssyncset.done $0x0;
	s17 =	rddreg [dreg:$0x9]  }
0x57: {  	s31 =	simm.s32 $0x7200;
	[sflag:s28] =	ssyncadd.s32 $0xFFFFE000;
	s16 =	sadd.s32 s13, s17  }
0x58: {  	[hbm4b:s16+s2] =	stream.strided.scatter [tilespmem:s31], [sflag:$0xD], $0x2000, s19, s2, $0x38;
	[tilespmem:$0x17200] =	vst v63  }
0x59: {  	s16 =	simm.s32 @!p0 $0x12  }
0x5a: {  	_ =	swait.ge @!p0 [sflag:s16], $0x2000  }
0x5b: {  	[sflag:s16] =	ssyncset.done @!p0 $0x0  }
0x5c: {  	s31 =	sadd.s32 $0x380, s15;
	[sflag:s16] =	ssyncadd.s32 @!p0 $0xFFFFE000  }
0x5d: {  	[tilespmem:s30], [sflag:$0x8] =	stream.indirect.gather [hbm4b:s5+s19], $0x40, s31, s19, $0xb8;
	[tilespmem:$0x17200] =	vst v63  }
0x5e: {  	_ =	swait.ge [sflag:s4], $0x2000  }
0x5f: {  	[sflag:s4] =	ssyncset.done $0x0;
	s17 =	rddreg [dreg:$0x8]  }
0x60: {  	s31 =	simm.s32 $0x9200;
	[sflag:s4] =	ssyncadd.s32 $0xFFFFE000;
	s16 =	sadd.s32 s13, s17  }
0x61: {  	[hbm4b:s16+s2] =	stream.strided.scatter [tilespmem:s31], [sflag:$0xE], $0x2000, s19, s2, $0x38;
	[tilespmem:$0x17200] =	vst v63  }
0x62: {  	s16 =	simm.s32 @!p0 $0x13  }
0x63: {  	_ =	swait.ge @!p0 [sflag:s16], $0x2000  }
0x64: {  	[sflag:s16] =	ssyncset.done @!p0 $0x0  }
0x65: {  	s17 =	sadd.s32 $0x400, s15;
	[sflag:s16] =	ssyncadd.s32 @!p0 $0xFFFFE000  }
0x66: {  	[tilespmem:s7], [sflag:$0x9] =	stream.indirect.gather [hbm4b:s5+s19], $0x40, s17, s19, $0xb8;
	[tilespmem:$0x17200] =	vst v63  }
0x67: {  	_ =	swait.ge [sflag:s8], $0x2000  }
0x68: {  	[sflag:s8] =	ssyncset.done $0x0;
	s31 =	rddreg [dreg:$0x7]  }
0x69: {  	[sflag:s8] =	ssyncadd.s32 $0xFFFFE000;
	s16 =	sadd.s32 s13, s31  }
0x6a: {  	[hbm4b:s16+s2] =	stream.strided.scatter [tilespmem:s18], [sflag:$0xF], $0x2000, s19, s2, $0x38;
	[tilespmem:$0x17200] =	vst v63  }
0x6b: {  	s16 =	simm.s32 @!p0 $0x14  }
0x6c: {  	_ =	swait.ge @!p0 [sflag:s16], $0x2000  }
0x6d: {  	[sflag:s16] =	ssyncset.done @!p0 $0x0  }
0x6e: {  	s17 =	sadd.s32 $0x480, s15;
	[sflag:s16] =	ssyncadd.s32 @!p0 $0xFFFFE000  }
0x6f: {  	[tilespmem:s9], [sflag:$0xA] =	stream.indirect.gather [hbm4b:s5+s19], $0x40, s17, s19, $0xb8;
	[tilespmem:$0x17200] =	vst v63  }
0x70: {  	_ =	swait.ge [sflag:s20], $0x2000  }
0x71: {  	[sflag:s20] =	ssyncset.done $0x0;
	s18 =	rddreg [dreg:$0xf]  }
0x72: {  	[sflag:s20] =	ssyncadd.s32 $0xFFFFE000;
	s16 =	sadd.s32 s13, s18  }
0x73: {  	[hbm4b:s16+s2] =	stream.strided.scatter [tilespmem:s1], [sflag:$0x10], $0x2000, s19, s2, $0x38;
	[tilespmem:$0x17200] =	vst v63  }
0x74: {  	p0 =	seq.s32 s14, $0x5000;
	_ =	swait.ge [sflag:s22], $0x2000  }
0x75: {  	s31 =	simm.s32 @!p0 $0x3200;
	s16 =	sshra.s32 @!p0 s14, $0x2;
	[sflag:s22] =	ssyncset.done $0x0  }
0x76: {  	s18 =	simm.s32 @!p0 $0x80;
	s17 =	sadd.s32 @!p0 $0x500, s16;
	[sflag:s22] =	ssyncadd.s32 $0xFFFFE000  }
0x77: {  	[tilespmem:s31], [sflag:$0x1] =	stream.indirect.gather @!p0 [hbm4b:s5+s18], $0x40, s17, s18, $0xb8;
	[tilespmem:$0x17200] =	vst v63  }
0x78: {  	_ =	swait.ge [sflag:s21], $0x2000  }
0x79: {  	[sflag:s21] =	ssyncset.done $0x0;
	s31 =	rddreg [dreg:$0xe]  }
0x7a: {  	[sflag:s21] =	ssyncadd.s32 $0xFFFFE000;
	s17 =	sadd.s32 s13, s31  }
0x7b: {  	[hbm4b:s17+s2] =	stream.strided.scatter [tilespmem:s25], [sflag:$0x11], $0x2000, s19, s2, $0x38;
	[tilespmem:$0x17200] =	vst v63  }
0x7c: {  	_ =	swait.ge [sflag:s23], $0x2000  }
0x7d: {  	[sflag:s23] =	ssyncset.done $0x0  }
0x7e: {  	s31 =	simm.s32 @!p0 $0x5200;
	s17 =	sadd.s32 @!p0 $0x580, s16;
	[sflag:s23] =	ssyncadd.s32 $0xFFFFE000  }
0x7f: {  	[tilespmem:s31], [sflag:$0x2] =	stream.indirect.gather @!p0 [hbm4b:s5+s18], $0x40, s17, s18, $0xb8;
	[tilespmem:$0x17200] =	vst v63  }
0x80: {  	_ =	swait.ge [sflag:s24], $0x2000  }
0x81: {  	[sflag:s24] =	ssyncset.done $0x0;
	s31 =	rddreg [dreg:$0xd]  }
0x82: {  	[sflag:s24] =	ssyncadd.s32 $0xFFFFE000;
	s17 =	sadd.s32 s13, s31  }
0x83: {  	[hbm4b:s17+s2] =	stream.strided.scatter [tilespmem:s30], [sflag:$0x12], $0x2000, s19, s2, $0x38;
	[tilespmem:$0x17200] =	vst v63  }
0x84: {  	_ =	swait.ge [sflag:s26], $0x2000  }
0x85: {  	[sflag:s26] =	ssyncset.done $0x0  }
0x86: {  	s31 =	simm.s32 @!p0 $0x7200;
	s17 =	sadd.s32 @!p0 $0x600, s16;
	[sflag:s26] =	ssyncadd.s32 $0xFFFFE000  }
0x87: {  	[tilespmem:s31], [sflag:$0x3] =	stream.indirect.gather @!p0 [hbm4b:s5+s18], $0x40, s17, s18, $0xb8;
	[tilespmem:$0x17200] =	vst v63  }
0x88: {  	_ =	swait.ge [sflag:s29], $0x2000  }
0x89: {  	[sflag:s29] =	ssyncset.done $0x0;
	s31 =	rddreg [dreg:$0xc]  }
0x8a: {  	[sflag:s29] =	ssyncadd.s32 $0xFFFFE000;
	s17 =	sadd.s32 s13, s31  }
0x8b: {  	[hbm4b:s17+s2] =	stream.strided.scatter [tilespmem:s7], [sflag:$0x13], $0x2000, s19, s2, $0x38;
	[tilespmem:$0x17200] =	vst v63  }
0x8c: {  	_ =	swait.ge [sflag:s10], $0x2000  }
0x8d: {  	[sflag:s10] =	ssyncset.done $0x0  }
0x8e: {  	s16 =	sadd.s32 @!p0 $0x680, s16;
	s17 =	simm.s32 @!p0 $0x9200;
	[sflag:s10] =	ssyncadd.s32 $0xFFFFE000  }
0x8f: {  	[tilespmem:s17], [sflag:$0x4] =	stream.indirect.gather @!p0 [hbm4b:s5+s18], $0x40, s16, s18, $0xb8;
	[tilespmem:$0x17200] =	vst v63  }
0x90: {  	_ =	swait.ge [sflag:s11], $0x2000  }
0x91: {  	[sflag:s11] =	ssyncset.done $0x0;
	s31 =	rddreg [dreg:$0xb]  }
.Ltmp2:
0x92: {  	[sflag:s11] =	ssyncadd.s32 $0xFFFFE000;
	s16 =	sadd.s32 s13, s31;
	(pc) =	sbr.rel @p0 .LBB2_4-.Ltmp2, $4  }
0x93: {  	[hbm4b:s16+s2] =	stream.strided.scatter [tilespmem:s9], [sflag:$0x14], $0x2000, s19, s2, $0x38;
	[tilespmem:$0x17200] =	vst v63  }
0x94: {  	_ =	swait.ge [sflag:s12], $0x2000  }
0x95: {  	[sflag:s12] =	ssyncset.done $0x0  }
0x96: {  	s1 =	simm.s32 $0xB200;
	[sflag:s12] =	ssyncadd.s32 $0xFFFFE000  }
.Ltmp3:
0x97: {  	(pc) =	sbr.rel .LBB2_2-.Ltmp3, $4  }
0x98: {  	_ = 	snop  }
0x99: {  	s15 =	sadd.s32 $0x700, s15  }
0x9a: {  	s14 =	sadd.s32 $0x1400, s14;
	s13 =	sadd.s32 $0xA0000, s13;
	s18 =	simm.s32 $0xB200  }
0x9b: {  	[tilespmem:s1], [sflag:$0x5] =	stream.indirect.gather [hbm4b:s5+s19], $0x40, s15, s19, $0xb8;
	[tilespmem:$0x17200] =	vst v63  }
.LBB2_4:
0x9c: {  	s13 =	simm.s32 $0x10  }
0x9d: {  	_ =	swait.ge [sflag:s13], $0x2000  }
0x9e: {  	[sflag:s13] =	ssyncset.done $0x0  }
0x9f: {  	s31 =	simm.s32 $0x11;
	[sflag:s13] =	ssyncadd.s32 $0xFFFFE000  }
0xa0: {  	_ =	swait.ge [sflag:s31], $0x2000  }
0xa1: {  	[sflag:s31] =	ssyncset.done $0x0  }
0xa2: {  	s14 =	simm.s32 $0x12;
	[sflag:s31] =	ssyncadd.s32 $0xFFFFE000  }
0xa3: {  	_ =	swait.ge [sflag:s14], $0x2000  }
0xa4: {  	[sflag:s14] =	ssyncset.done $0x0  }
0xa5: {  	s15 =	simm.s32 $0x13;
	[sflag:s14] =	ssyncadd.s32 $0xFFFFE000  }
0xa6: {  	_ =	swait.ge [sflag:s15], $0x2000  }
0xa7: {  	[sflag:s15] =	ssyncset.done $0x0  }
0xa8: {  	s16 =	simm.s32 $0x14;
	[sflag:s15] =	ssyncadd.s32 $0xFFFFE000  }
0xa9: {  	_ =	swait.ge [sflag:s16], $0x2000  }
0xaa: {  	[sflag:s16] =	ssyncset.done $0x0  }
0xab: {  	s17 =	simm.s32 $0x1900;
	s14 =	simm.s32 $0x3200;
	[sflag:s16] =	ssyncadd.s32 $0xFFFFE000  }
0xac: {  	[tilespmem:s14], [sflag:$0x1] =	stream.indirect.gather [hbm4b:s6+s19], $0x40, s17, s19, $0xb8;
	[tilespmem:$0x17200] =	vst v63  }
0xad: {  	s18 =	simm.s32 $0x5200;
	s31 =	simm.s32 $0x1980  }
0xae: {  	[tilespmem:s18], [sflag:$0x2] =	stream.indirect.gather [hbm4b:s6+s19], $0x40, s31, s19, $0xb8;
	[tilespmem:$0x17200] =	vst v63  }
0xaf: {  	s15 =	simm.s32 $0x7200;
	s16 =	simm.s32 $0x1A00  }
0xb0: {  	[tilespmem:s15], [sflag:$0x3] =	stream.indirect.gather [hbm4b:s6+s19], $0x40, s16, s19, $0xb8;
	[tilespmem:$0x17200] =	vst v63  }
0xb1: {  	s17 =	simm.s32 $0x9200;
	s18 =	simm.s32 $0x1A80  }
0xb2: {  	[tilespmem:s17], [sflag:$0x4] =	stream.indirect.gather [hbm4b:s6+s19], $0x40, s18, s19, $0xb8;
	[tilespmem:$0x17200] =	vst v63  }
0xb3: {  	s31 =	simm.s32 $0x1B00  }
0xb4: {  	[tilespmem:s1], [sflag:$0x5] =	stream.indirect.gather [hbm4b:s6+s19], $0x40, s31, s19, $0xb8;
	[tilespmem:$0x17200] =	vst v63  }
0xb5: {  	s13 =	simm.s32 $0x0;
	s14 =	rddreg [dreg:$0x2];
	s1 =	simm.s32 $0xB200  }
.LBB2_5:
0xb6: {  	_ =	swait.ge [sflag:s0], $0x2000;
	s18 =	simm.s32 $0x3200  }
0xb7: {  	p0 =	seq.s32 s13, $0x0;
	[sflag:s0] =	ssyncset.done $0x0;
	s15 =	rddreg [dreg:$0xa]  }
0xb8: {  	s17 =	simm.s32 @!p0 $0x10;
	[sflag:s0] =	ssyncadd.s32 $0xFFFFE000;
	s16 =	sadd.s32 s14, s15  }
0xb9: {  	[hbm4b:s16+s2] =	stream.strided.scatter [tilespmem:s18], [sflag:$0xB], $0x2000, s19, s2, $0x38;
	[tilespmem:$0x17200] =	vst v63  }
0xba: {  	_ =	swait.ge @!p0 [sflag:s17], $0x2000  }
0xbb: {  	s15 =	sshra.s32 s13, $0x2;
	[sflag:s17] =	ssyncset.done @!p0 $0x0  }
0xbc: {  	s31 =	sadd.s32 $0x1B80, s15;
	s18 =	simm.s32 $0xD200;
	[sflag:s17] =	ssyncadd.s32 @!p0 $0xFFFFE000  }
0xbd: {  	[tilespmem:s18], [sflag:$0x6] =	stream.indirect.gather [hbm4b:s6+s19], $0x40, s31, s19, $0xb8;
	[tilespmem:$0x17200] =	vst v63  }
0xbe: {  	_ =	swait.ge [sflag:s3], $0x2000  }
0xbf: {  	[sflag:s3] =	ssyncset.done $0x0  }
0xc0: {  	s16 =	sadd.s32 $0x10000, s16;
	s31 =	simm.s32 $0x5200;
	[sflag:s3] =	ssyncadd.s32 $0xFFFFE000  }
0xc1: {  	[hbm4b:s16+s2] =	stream.strided.scatter [tilespmem:s31], [sflag:$0xC], $0x2000, s19, s2, $0x38;
	[tilespmem:$0x17200] =	vst v63  }
0xc2: {  	s16 =	simm.s32 @!p0 $0x11  }
0xc3: {  	_ =	swait.ge @!p0 [sflag:s16], $0x2000  }
0xc4: {  	[sflag:s16] =	ssyncset.done @!p0 $0x0  }
0xc5: {  	s31 =	sadd.s32 $0x1C00, s15;
	[sflag:s16] =	ssyncadd.s32 @!p0 $0xFFFFE000  }
0xc6: {  	[tilespmem:s25], [sflag:$0x7] =	stream.indirect.gather [hbm4b:s6+s19], $0x40, s31, s19, $0xb8;
	[tilespmem:$0x17200] =	vst v63  }
0xc7: {  	_ =	swait.ge [sflag:s28], $0x2000  }
0xc8: {  	[sflag:s28] =	ssyncset.done $0x0;
	s17 =	rddreg [dreg:$0x9]  }
0xc9: {  	s31 =	simm.s32 $0x7200;
	[sflag:s28] =	ssyncadd.s32 $0xFFFFE000;
	s16 =	sadd.s32 s14, s17  }
0xca: {  	[hbm4b:s16+s2] =	stream.strided.scatter [tilespmem:s31], [sflag:$0xD], $0x2000, s19, s2, $0x38;
	[tilespmem:$0x17200] =	vst v63  }
0xcb: {  	s16 =	simm.s32 @!p0 $0x12  }
0xcc: {  	_ =	swait.ge @!p0 [sflag:s16], $0x2000  }
0xcd: {  	[sflag:s16] =	ssyncset.done @!p0 $0x0  }
0xce: {  	s31 =	sadd.s32 $0x1C80, s15;
	[sflag:s16] =	ssyncadd.s32 @!p0 $0xFFFFE000  }
0xcf: {  	[tilespmem:s30], [sflag:$0x8] =	stream.indirect.gather [hbm4b:s6+s19], $0x40, s31, s19, $0xb8;
	[tilespmem:$0x17200] =	vst v63  }
0xd0: {  	_ =	swait.ge [sflag:s4], $0x2000  }
0xd1: {  	[sflag:s4] =	ssyncset.done $0x0;
	s17 =	rddreg [dreg:$0x8]  }
0xd2: {  	s31 =	simm.s32 $0x9200;
	[sflag:s4] =	ssyncadd.s32 $0xFFFFE000;
	s16 =	sadd.s32 s14, s17  }
0xd3: {  	[hbm4b:s16+s2] =	stream.strided.scatter [tilespmem:s31], [sflag:$0xE], $0x2000, s19, s2, $0x38;
	[tilespmem:$0x17200] =	vst v63  }
0xd4: {  	s16 =	simm.s32 @!p0 $0x13  }
0xd5: {  	_ =	swait.ge @!p0 [sflag:s16], $0x2000  }
0xd6: {  	[sflag:s16] =	ssyncset.done @!p0 $0x0  }
0xd7: {  	s17 =	sadd.s32 $0x1D00, s15;
	[sflag:s16] =	ssyncadd.s32 @!p0 $0xFFFFE000  }
0xd8: {  	[tilespmem:s7], [sflag:$0x9] =	stream.indirect.gather [hbm4b:s6+s19], $0x40, s17, s19, $0xb8;
	[tilespmem:$0x17200] =	vst v63  }
0xd9: {  	_ =	swait.ge [sflag:s8], $0x2000  }
0xda: {  	[sflag:s8] =	ssyncset.done $0x0;
	s31 =	rddreg [dreg:$0x7]  }
0xdb: {  	[sflag:s8] =	ssyncadd.s32 $0xFFFFE000;
	s16 =	sadd.s32 s14, s31  }
0xdc: {  	[hbm4b:s16+s2] =	stream.strided.scatter [tilespmem:s1], [sflag:$0xF], $0x2000, s19, s2, $0x38;
	[tilespmem:$0x17200] =	vst v63  }
0xdd: {  	s16 =	simm.s32 @!p0 $0x14  }
0xde: {  	_ =	swait.ge @!p0 [sflag:s16], $0x2000  }
0xdf: {  	[sflag:s16] =	ssyncset.done @!p0 $0x0  }
0xe0: {  	s1 =	sadd.s32 $0x1D80, s15;
	[sflag:s16] =	ssyncadd.s32 @!p0 $0xFFFFE000  }
0xe1: {  	[tilespmem:s9], [sflag:$0xA] =	stream.indirect.gather [hbm4b:s6+s19], $0x40, s1, s19, $0xb8;
	[tilespmem:$0x17200] =	vst v63  }
0xe2: {  	_ =	swait.ge [sflag:s20], $0x2000  }
0xe3: {  	[sflag:s20] =	ssyncset.done $0x0;
	s17 =	rddreg [dreg:$0xf]  }
0xe4: {  	[sflag:s20] =	ssyncadd.s32 $0xFFFFE000;
	s16 =	sadd.s32 s14, s17  }
0xe5: {  	[hbm4b:s16+s2] =	stream.strided.scatter [tilespmem:s18], [sflag:$0x10], $0x2000, s19, s2, $0x38;
	[tilespmem:$0x17200] =	vst v63  }
0xe6: {  	p0 =	seq.s32 s13, $0x5000;
	_ =	swait.ge [sflag:s22], $0x2000  }
0xe7: {  	s31 =	simm.s32 @!p0 $0x3200;
	s16 =	sshra.s32 @!p0 s13, $0x2;
	[sflag:s22] =	ssyncset.done $0x0  }
0xe8: {  	s18 =	simm.s32 @!p0 $0x80;
	s17 =	sadd.s32 @!p0 $0x1E00, s16;
	[sflag:s22] =	ssyncadd.s32 $0xFFFFE000  }
0xe9: {  	[tilespmem:s31], [sflag:$0x1] =	stream.indirect.gather @!p0 [hbm4b:s6+s18], $0x40, s17, s18, $0xb8;
	[tilespmem:$0x17200] =	vst v63  }
0xea: {  	_ =	swait.ge [sflag:s21], $0x2000  }
0xeb: {  	[sflag:s21] =	ssyncset.done $0x0;
	s31 =	rddreg [dreg:$0xe]  }
0xec: {  	[sflag:s21] =	ssyncadd.s32 $0xFFFFE000;
	s17 =	sadd.s32 s14, s31  }
0xed: {  	[hbm4b:s17+s2] =	stream.strided.scatter [tilespmem:s25], [sflag:$0x11], $0x2000, s19, s2, $0x38;
	[tilespmem:$0x17200] =	vst v63  }
0xee: {  	_ =	swait.ge [sflag:s23], $0x2000  }
0xef: {  	[sflag:s23] =	ssyncset.done $0x0  }
0xf0: {  	s31 =	simm.s32 @!p0 $0x5200;
	s17 =	sadd.s32 @!p0 $0x1E80, s16;
	[sflag:s23] =	ssyncadd.s32 $0xFFFFE000  }
0xf1: {  	[tilespmem:s31], [sflag:$0x2] =	stream.indirect.gather @!p0 [hbm4b:s6+s18], $0x40, s17, s18, $0xb8;
	[tilespmem:$0x17200] =	vst v63  }
0xf2: {  	_ =	swait.ge [sflag:s24], $0x2000  }
0xf3: {  	[sflag:s24] =	ssyncset.done $0x0;
	s31 =	rddreg [dreg:$0xd]  }
0xf4: {  	[sflag:s24] =	ssyncadd.s32 $0xFFFFE000;
	s17 =	sadd.s32 s14, s31  }
0xf5: {  	[hbm4b:s17+s2] =	stream.strided.scatter [tilespmem:s30], [sflag:$0x12], $0x2000, s19, s2, $0x38;
	[tilespmem:$0x17200] =	vst v63  }
0xf6: {  	_ =	swait.ge [sflag:s26], $0x2000  }
0xf7: {  	[sflag:s26] =	ssyncset.done $0x0  }
0xf8: {  	s31 =	simm.s32 @!p0 $0x7200;
	s17 =	sadd.s32 @!p0 $0x1F00, s16;
	[sflag:s26] =	ssyncadd.s32 $0xFFFFE000  }
0xf9: {  	[tilespmem:s31], [sflag:$0x3] =	stream.indirect.gather @!p0 [hbm4b:s6+s18], $0x40, s17, s18, $0xb8;
	[tilespmem:$0x17200] =	vst v63  }
0xfa: {  	_ =	swait.ge [sflag:s29], $0x2000  }
0xfb: {  	[sflag:s29] =	ssyncset.done $0x0;
	s31 =	rddreg [dreg:$0xc]  }
0xfc: {  	[sflag:s29] =	ssyncadd.s32 $0xFFFFE000;
	s17 =	sadd.s32 s14, s31  }
0xfd: {  	[hbm4b:s17+s2] =	stream.strided.scatter [tilespmem:s7], [sflag:$0x13], $0x2000, s19, s2, $0x38;
	[tilespmem:$0x17200] =	vst v63  }
0xfe: {  	_ =	swait.ge [sflag:s10], $0x2000  }
0xff: {  	[sflag:s10] =	ssyncset.done $0x0  }
0x100: {  	s16 =	sadd.s32 @!p0 $0x1F80, s16;
	s17 =	simm.s32 @!p0 $0x9200;
	[sflag:s10] =	ssyncadd.s32 $0xFFFFE000  }
0x101: {  	[tilespmem:s17], [sflag:$0x4] =	stream.indirect.gather @!p0 [hbm4b:s6+s18], $0x40, s16, s18, $0xb8;
	[tilespmem:$0x17200] =	vst v63  }
0x102: {  	_ =	swait.ge [sflag:s11], $0x2000  }
0x103: {  	[sflag:s11] =	ssyncset.done $0x0;
	s31 =	rddreg [dreg:$0xb]  }
.Ltmp4:
0x104: {  	[sflag:s11] =	ssyncadd.s32 $0xFFFFE000;
	s16 =	sadd.s32 s14, s31;
	(pc) =	sbr.rel @p0 .LBB2_7-.Ltmp4, $4  }
0x105: {  	[hbm4b:s16+s2] =	stream.strided.scatter [tilespmem:s9], [sflag:$0x14], $0x2000, s19, s2, $0x38;
	[tilespmem:$0x17200] =	vst v63  }
0x106: {  	_ =	swait.ge [sflag:s12], $0x2000  }
0x107: {  	[sflag:s12] =	ssyncset.done $0x0  }
0x108: {  	s1 =	simm.s32 $0xB200;
	[sflag:s12] =	ssyncadd.s32 $0xFFFFE000  }
.Ltmp5:
0x109: {  	(pc) =	sbr.rel .LBB2_5-.Ltmp5, $4  }
0x10a: {  	_ = 	snop  }
0x10b: {  	s15 =	sadd.s32 $0x2000, s15  }
0x10c: {  	[tilespmem:s1], [sflag:$0x5] =	stream.indirect.gather [hbm4b:s6+s19], $0x40, s15, s19, $0xb8;
	[tilespmem:$0x17200] =	vst v63  }
0x10d: {  	s13 =	sadd.s32 $0x1400, s13;
	s14 =	sadd.s32 $0xA0000, s14;
	s1 =	simm.s32 $0xB200  }
.LBB2_8:
0x10e: {  	_ =	sfence.sel $0x180000  }
0x10f: {  	[bflag:$0x0] =	sbarrier.arrive $0xFFFF  }
0x110: {  	_ =	strace $0x90000047  }
0x111: {  	s0 =	stileid.u32;
	[bflag:$0x2] =	sbarrier.arrive $0xFFFF  }
0x112: {  	p0 =	sne.s32 s0, $0x0;
	s0 =	rddreg [dreg:$0x3]  }
0x113: {  	s0 =	sadd.s32 @!p0 $0x100000, s0  }
0x114: {  	[sflag:s0] =	ssyncadd.tile.s32 @!p0 $0x1;
	_ =	shalt  }
.Lfunc_end2:
_tile_overlayer_lowered:
.L_overlay_start_2:
0x115: {  	(tag) =	ssettag $0x2  }
0x116: {  	s0 =	rddreg [dreg:$0x0];
	s2 =	stileid.u32  }
0x117: {  	s1 =	rddreg [dreg:$0x1];
	p0 =	sne.s32 s2, $0x0  }
0x118: {  	s3 =	rddreg [dreg:$0x2];
	[bflag:$0x3] =	sbarrier.arrive $0xFFFF;
	s2 =	simm.s32 @!p0 $0x1C15  }
0x119: {  	[timem:s3], [sflag:s2] =	dma.local @!p0 [hbm:s0], s1  }
0x11a: {  	s0 =	simm.s32 @!p0 $0x15  }
0x11b: {  	_ =	swait.ge @!p0 [sflag:s0], s1  }
0x11c: {  	s1 =	ssub.s32 @!p0 $0x0, s1;
	[sflag:s0] =	ssyncset.done @!p0 $0x0  }
0x11d: {  	[sflag:s0] =	ssyncadd.s32 @!p0 s1  }
0x11e: {  	[bflag:$0x3] =	sbarrier.arrive $0xFFFF  }
0x11f: {  	_ =	shalt  }

</sc_bundles>
